<compile_context>
chip_gen: v7x
topology: tpu7x:2x2x1
jax: 0.10.2.dev20260603
libtpu: 0.0.44.dev20260713+nightly
codegen_flags: <defaults>
</compile_context>

<pallas_src>
import functools
import math

import jax
import jax.numpy as jnp
from jax import lax
from jax.experimental import pallas as pl
from jax.experimental.pallas import tpu as pltpu
from jax.experimental.pallas import tpu_sc as plsc

TEMP = 0.1
Q = 1024
S = 100000
D = 512
B = 1024
NAUG = 4
SPAD = 100352
SROWS = SPAD // 1024
BS = 4000
NBLK = S // BS
NKB = SPAD // 16
NSB = NKB // 16
NS = 16
NW = 2 * NS
GR = Q // NW
BSRCH = 9
SIN2_THR = float(math.sin(25.0 / (2.0 * 6371.0)) ** 2)


def _rownorm(x, axis):
    n = jnp.sqrt(jnp.sum(x * x, axis=axis, keepdims=True))
    return x / jnp.maximum(n, 1e-12)


def _main_body(gps_ref, sup_ref, v0_ref, l_ref, lat_ref, lon_ref,
               arg_ref, fkeys_ref, fbits_ref, cnt_ref,
               org_vm, rmax_ref, rarg_ref):
    i = pl.program_id(0)

    @pl.when(i == 0)
    def _prep():
        l_n = _rownorm(l_ref[...], 1)
        org_vm[...] = _rownorm(v0_ref[0] * l_n, 1)

        rad = math.pi / 180.0
        lat1 = gps_ref[0] * rad
        lon1 = gps_ref[1] * rad
        lat2 = lat_ref[...] * rad
        lon2 = lon_ref[...] * rad
        sdlat = jnp.sin((lat2 - lat1) * 0.5)
        sdlon = jnp.sin((lon2 - lon1) * 0.5)
        a = sdlat * sdlat + jnp.cos(lat1) * jnp.cos(lat2) * sdlon * sdlon
        a = jnp.clip(a, 0.0, 1.0)
        r = lax.broadcasted_iota(jnp.int32, (SROWS, 1024), 0)
        c = lax.broadcasted_iota(jnp.int32, (SROWS, 1024), 1)
        in_range = (r * 1024 + c) < S
        m = ((a > SIN2_THR) & in_range).astype(jnp.float32)

        ki = lax.broadcasted_iota(jnp.int32, (1024, 1024), 0)
        ii = lax.broadcasted_iota(jnp.int32, (1024, 1024), 1)
        sut = (ki < ii).astype(jnp.float32)
        excl_row = lax.dot_general(m, sut, (((1,), (0,)), ((), ())),
                                   preferred_element_type=jnp.float32)
        ones_col = jnp.ones((1024, 1), jnp.float32)
        totals = lax.dot_general(m, ones_col, (((1,), (0,)), ((), ())),
                                 preferred_element_type=jnp.float32)
        ri = lax.broadcasted_iota(jnp.int32, (SROWS, SROWS), 0)
        ci = lax.broadcasted_iota(jnp.int32, (SROWS, SROWS), 1)
        slt = (ci < ri).astype(jnp.float32)
        base = lax.dot_general(slt, totals, (((1,), (0,)), ((), ())),
                               preferred_element_type=jnp.float32)
        encf = (excl_row + base) * 2.0 + m
        fk = lax.broadcasted_iota(jnp.int32, (1024, 64), 0)
        fj = lax.broadcasted_iota(jnp.int32, (1024, 64), 1)
        sel = (fk == fj * 16).astype(jnp.float32)
        fkeys_ref[...] = lax.dot_general(
            encf, sel, (((1,), (0,)), ((), ())),
            preferred_element_type=jnp.float32).astype(jnp.int32)
        pw = jnp.where((fk >> 4) == fj, 1 << (fk & 15), 0).astype(jnp.float32)
        fbits_ref[...] = lax.dot_general(
            m, pw, (((1,), (0,)), ((), ())),
            preferred_element_type=jnp.float32).astype(jnp.int32)

        total = jnp.sum(m).astype(jnp.int32)
        cnt_ref[0, 0] = jnp.minimum(total, Q)

        rmax_ref[...] = jnp.full((1, B), -jnp.inf, jnp.float32)
        rarg_ref[...] = jnp.zeros((1, B), jnp.int32)

    sim = lax.dot_general(sup_ref[...], org_vm[...],
                          (((1,), (1,)), ((), ())),
                          preferred_element_type=jnp.float32)
    mx = jnp.max(sim, axis=0, keepdims=True)
    amax = jnp.argmax(sim, axis=0).astype(jnp.int32).reshape(1, B)
    upd = mx > rmax_ref[...]
    rarg_ref[...] = jnp.where(upd, i * BS + amax, rarg_ref[...])
    rmax_ref[...] = jnp.where(upd, mx, rmax_ref[...])

    @pl.when(i == NBLK - 1)
    def _fin():
        arg_ref[...] = rarg_ref[...]


_sc_mesh = plsc.VectorSubcoreMesh(core_axis_name="c", subcore_axis_name="s")


@functools.partial(
    pl.kernel,
    out_type=[jax.ShapeDtypeStruct((B, D), jnp.float32),
              jax.ShapeDtypeStruct((Q, D), jnp.float32)],
    mesh=_sc_mesh,
    scratch_types=[
        pltpu.VMEM((NKB,), jnp.int32),
        pltpu.VMEM((NKB,), jnp.int32),
        pltpu.VMEM((GR,), jnp.int32),
        pltpu.VMEM((GR, D), jnp.float32),
        pltpu.SemaphoreType.DMA,
    ],
)
def _sc_gather(fkeys_hbm, fbits_hbm, arg_hbm, sup_hbm, nn_hbm, neg_hbm,
               fkeys_vm, fbits_vm, myidx_vm, rows_vm, sem):
    cid = lax.axis_index("c")
    sid = lax.axis_index("s")
    wid = cid * NS + sid
    lanes = lax.iota(jnp.int32, 16)
    z16 = jnp.zeros((16,), jnp.int32)

    pltpu.sync_copy(fkeys_hbm, fkeys_vm)
    pltpu.sync_copy(fbits_hbm, fbits_vm)

    myidx_vm[pl.ds(0, 16)] = z16
    myidx_vm[pl.ds(16, 16)] = z16

    def _rank(v, carry):
        r = wid * GR + v
        target = r * 2 + 1
        lo = jnp.int32(0)
        hi = jnp.int32(NSB)
        for _ in range(BSRCH):
            mid = (lo + hi) >> 1
            f = fkeys_vm[pl.ds(mid * 16, 16)][0]
            pred = f <= target
            lo = jnp.where(pred, mid, lo)
            hi = jnp.where(pred, hi, mid)
        sb = lo
        fv = fkeys_vm[pl.ds(sb * 16, 16)]
        bv = fbits_vm[pl.ds(sb * 16, 16)]
        c = jnp.int32(0)
        for l in range(16):
            c = c + jnp.where(fv[l] <= target, 1, 0)
        ck = c - 1
        fkey = jnp.int32(0)
        fb = jnp.int32(0)
        for l in range(16):
            fkey = fkey + jnp.where(ck == l, fv[l], 0)
            fb = fb + jnp.where(ck == l, bv[l], 0)
        j = r - (fkey >> 1)
        cnt = jnp.int32(0)
        psum = jnp.int32(0)
        for l in range(16):
            bit = (fb >> l) & 1
            cnt = cnt + bit
            psum = psum + jnp.where(bit > 0,
                                    jnp.where(cnt == j + 1, l + 16, 0), 0)
        bk = sb * 16 + ck
        idx = jnp.where(psum > 0, bk * 16 + psum - 16, 0)
        ins = lanes == (v & 15)
        off = (v >> 4) * 16
        cur = myidx_vm[pl.ds(off, 16)]
        myidx_vm[pl.ds(off, 16)] = jnp.where(ins, idx, cur)
        return carry

    lax.fori_loop(0, GR, _rank, jnp.int32(0))

    pltpu.async_copy(sup_hbm.at[myidx_vm], rows_vm, sem).wait()
    pltpu.sync_copy(rows_vm, neg_hbm.at[pl.ds(wid * GR, GR)])

    pltpu.sync_copy(arg_hbm.at[pl.ds(wid * GR, GR)], myidx_vm)
    pltpu.async_copy(sup_hbm.at[myidx_vm], rows_vm, sem).wait()
    pltpu.sync_copy(rows_vm, nn_hbm.at[pl.ds(wid * GR, GR)])


def _loss_body(cnt_ref, v_ref, l_ref, nn_ref, neg_ref, out_ref):
    l_n = _rownorm(l_ref[...], 1)
    aug_n = _rownorm(v_ref[1:NAUG] * l_n[None], 2)
    nn_n = _rownorm(nn_ref[...], 1)
    sims = jnp.sum(aug_n * nn_n[None], axis=2)
    bd = jnp.sum(jnp.exp(sims / TEMP), axis=0, keepdims=True)
    ng_n = _rownorm(neg_ref[...], 1)
    qs = lax.dot_general(ng_n, nn_n, (((1,), (1,)), ((), ())),
                         preferred_element_type=jnp.float32)
    qrow = lax.broadcasted_iota(jnp.int32, (Q, B), 0)
    cnt = cnt_ref[0, 0]
    qd = jnp.sum(jnp.where(qrow < cnt, jnp.exp(qs / TEMP), 1.0),
                 axis=0, keepdims=True)
    t = bd / (bd + qd)
    out_ref[...] = -jnp.sum(t, axis=1, keepdims=True) / B


def kernel(V, L, gps, support_features, support_gps):
    lat2d = jnp.pad(support_gps[:, 0], (0, SPAD - S)).reshape(SROWS, 1024)
    lon2d = jnp.pad(support_gps[:, 1], (0, SPAD - S)).reshape(SROWS, 1024)

    argmax2d, fkeys2d, fbits2d, cnt = pl.pallas_call(
        _main_body,
        grid=(NBLK,),
        out_shape=[
            jax.ShapeDtypeStruct((1, B), jnp.int32),
            jax.ShapeDtypeStruct((SROWS, 64), jnp.int32),
            jax.ShapeDtypeStruct((SROWS, 64), jnp.int32),
            jax.ShapeDtypeStruct((1, 1), jnp.int32),
        ],
        in_specs=[
            pl.BlockSpec(memory_space=pltpu.SMEM),
            pl.BlockSpec((BS, D), lambda i: (i, 0)),
            pl.BlockSpec((1, B, D), lambda i: (0, 0, 0)),
            pl.BlockSpec((B, D), lambda i: (0, 0)),
            pl.BlockSpec((SROWS, 1024), lambda i: (0, 0)),
            pl.BlockSpec((SROWS, 1024), lambda i: (0, 0)),
        ],
        out_specs=[
            pl.BlockSpec((1, B), lambda i: (0, 0)),
            pl.BlockSpec((SROWS, 64), lambda i: (0, 0)),
            pl.BlockSpec((SROWS, 64), lambda i: (0, 0)),
            pl.BlockSpec(memory_space=pltpu.SMEM),
        ],
        scratch_shapes=[
            pltpu.VMEM((B, D), jnp.float32),
            pltpu.VMEM((1, B), jnp.float32),
            pltpu.VMEM((1, B), jnp.int32),
        ],
    )(gps, support_features, V, L, lat2d, lon2d)

    nn, neg = _sc_gather(fkeys2d.reshape(NKB), fbits2d.reshape(NKB),
                         argmax2d.reshape(B), support_features)

    loss = pl.pallas_call(
        _loss_body,
        out_shape=jax.ShapeDtypeStruct((1, 1), jnp.float32),
        in_specs=[
            pl.BlockSpec(memory_space=pltpu.SMEM),
            pl.BlockSpec(memory_space=pltpu.VMEM),
            pl.BlockSpec(memory_space=pltpu.VMEM),
            pl.BlockSpec(memory_space=pltpu.VMEM),
            pl.BlockSpec(memory_space=pltpu.VMEM),
        ],
    )(cnt, V, L, nn, neg)
    return loss[0, 0]

# --- scband reference (transcript-rebuilt; emitter-appended) ---
"""Pipeline reference for scband-snow-clrloss-61366492725250 (READ-ONLY COPY).

The authoritative reference and input builder live on the scoring server;
editing this copy changes nothing except your own understanding.
"""

import jax, jax.numpy as jnp
import numpy as np

TEMPERATURE = 0.1
QUEUE_SIZE = 1024


def _normalize(x, axis):
    n = jnp.linalg.norm(x, axis=axis, keepdims=True)
    return x / jnp.clip(n, 1e-12, None)


def _haversine_km(gps, support_gps):
    lat1 = jnp.deg2rad(gps[0]); lon1 = jnp.deg2rad(gps[1])
    lat2 = jnp.deg2rad(support_gps[:, 0]); lon2 = jnp.deg2rad(support_gps[:, 1])
    dlat = lat2 - lat1; dlon = lon2 - lon1
    a = jnp.sin(dlat / 2.0) ** 2 + jnp.cos(lat1) * jnp.cos(lat2) * jnp.sin(dlon / 2.0) ** 2
    return 2.0 * 6371.0 * jnp.arcsin(jnp.sqrt(jnp.clip(a, 0.0, 1.0)))


def _nearest_neighbours(org_emb_norm, support_features):
    # sim: (S, B) = support @ emb^T ; per-batch-column nearest neighbour in the support set
    sim = support_features @ org_emb_norm.T
    idx = jnp.argmax(sim, axis=0)  # (B,)
    return jnp.take(support_features, idx, axis=0)  # (B, d)


def _nn_negative_queue(gps, support_features, support_gps):
    # first QUEUE_SIZE support entries farther than 25 km; rows left as zeros if queue underfilled
    dist = _haversine_km(gps, support_gps)
    mask = dist > 25.0
    idx = jnp.nonzero(mask, size=QUEUE_SIZE, fill_value=0)[0]
    count = jnp.sum(mask.astype(jnp.int32))
    valid = jnp.arange(QUEUE_SIZE) < count
    gathered = jnp.take(support_features, idx, axis=0)
    return jnp.where(valid[:, None], gathered, 0.0)  # (Q, d)


def reference(V, L, gps, support_features, support_gps):
    L_norm = _normalize(L, 1)
    org_emb = V[0] * L_norm
    org_emb_norm = _normalize(org_emb, 1)
    aug_embs = V[1:] * L_norm
    aug_embs_norm = _normalize(aug_embs, 2)
    # torch.no_grad -> stop_gradient
    nn_embs = jax.lax.stop_gradient(_nearest_neighbours(org_emb_norm, support_features))
    nn_embs_norm = _normalize(nn_embs, 1)
    similarities = jnp.exp(jnp.einsum('ajk,jk->aj', aug_embs_norm, nn_embs_norm) / TEMPERATURE)  # (n_aug-1, B)
    batch_denominators = jnp.sum(similarities, axis=0)  # (B,)
    negative_features = jax.lax.stop_gradient(_nn_negative_queue(gps, support_features, support_gps))  # (Q, d)
    negative_features_norm = _normalize(negative_features, 1)
    queue_sims = jnp.exp((nn_embs_norm @ negative_features_norm.T) / TEMPERATURE)  # (B, Q)
    queue_denominators = jnp.sum(queue_sims, axis=1)  # (B,)
    loss = jnp.mean(-jnp.sum(similarities, axis=0) / (batch_denominators + queue_denominators))
    return loss


def setup_inputs(seed: int = 0) -> dict:
    key = jax.random.key(seed)
    ks = jax.random.split(key, 5)
    n_aug, B, d, S = 4, 1024, 512, 100000
    V = jax.random.normal(ks[0], (n_aug, B, d), dtype=jnp.float32)
    L = jax.random.normal(ks[1], (B, d), dtype=jnp.float32)
    gps = jax.random.uniform(ks[2], (2,), dtype=jnp.float32)
    support_features = jax.random.normal(ks[3], (S, d), dtype=jnp.float32)
    support_gps = jax.random.normal(ks[4], (S, 2), dtype=jnp.float32)
    return {'V': V, 'L': L, 'gps': gps, 'support_features': support_features, 'support_gps': support_gps}

if __name__ == "__main__":
    import jax
    _d = setup_inputs()
    print(jax.jit(kernel)(*tuple(_d.values())))

</pallas_src>

<mosaic_0001>
#map = affine_map<(d0, d1) -> (0)>
#map1 = affine_map<(d0, d1) -> (0, 0)>
module attributes {stable_mosaic.version = 14 : i64} {
  func.func @_sc_gather(%arg0: i32, %arg1: i32, %arg2: memref<6272xi32, #tpu.memory_space<hbm>>, %arg3: memref<6272xi32, #tpu.memory_space<hbm>>, %arg4: memref<1024xi32, #tpu.memory_space<hbm>>, %arg5: memref<100000x512xf32, #tpu.memory_space<hbm>>, %arg6: memref<1024x512xf32, #tpu.memory_space<hbm>>, %arg7: memref<1024x512xf32, #tpu.memory_space<hbm>>, %arg8: memref<6272xi32, #tpu.memory_space<vmem>>, %arg9: memref<6272xi32, #tpu.memory_space<vmem>>, %arg10: memref<32xi32, #tpu.memory_space<vmem>>, %arg11: memref<32x512xf32, #tpu.memory_space<vmem>>, %arg12: memref<!tpu.dma_semaphore, #tpu.memory_space<semaphore_mem>>) attributes {dimension_semantics = [#tpu.dimension_semantics<core_parallel>, #tpu.dimension_semantics<subcore_parallel>], iteration_bounds = array<i64: 2, 16>, scalar_prefetch = 0 : i64, scratch_operands = 5 : i64, tpu.core_type = #tpu.core_type<sc_vector_subcore>, window_params = [{transform_indices = #map}, {transform_indices = #map}, {transform_indices = #map}, {transform_indices = #map1}, {transform_indices = #map1}, {transform_indices = #map1}]} {
    %mul3A = arith.constant 16 : i32
    %mul3A_0 = arith.muli %arg0, %mul3A : i32
    %add3A = arith.addi %mul3A_0, %arg1 : i32
    %iota3A = tpu.iota {dimensions = array<i32: 0>} : vector<16xi32>
    %broadcast_in_dim3A = arith.constant 0 : i32
    %broadcast_in_dim3A_1 = vector.broadcast %broadcast_in_dim3A : i32 to vector<16xi32>
    "tpu.region"() ({
      %run_scoped3A = tpu.sem_alloc : memref<!tpu.dma_semaphore, #tpu.memory_space<semaphore_mem>>
      tpu.enqueue_dma source(%arg2 : memref<6272xi32, #tpu.memory_space<hbm>>) target(%arg8 : memref<6272xi32, #tpu.memory_space<vmem>>) target_semaphore(%run_scoped3A : memref<!tpu.dma_semaphore, #tpu.memory_space<semaphore_mem>>)
      tpu.wait_dma2 semaphore(%run_scoped3A : memref<!tpu.dma_semaphore, #tpu.memory_space<semaphore_mem>>) src(%arg2 : memref<6272xi32, #tpu.memory_space<hbm>>) dst(%arg8 : memref<6272xi32, #tpu.memory_space<vmem>>)
      tpu.yield
    }) : () -> ()
    "tpu.region"() ({
      %run_scoped3A = tpu.sem_alloc : memref<!tpu.dma_semaphore, #tpu.memory_space<semaphore_mem>>
      tpu.enqueue_dma source(%arg3 : memref<6272xi32, #tpu.memory_space<hbm>>) target(%arg9 : memref<6272xi32, #tpu.memory_space<vmem>>) target_semaphore(%run_scoped3A : memref<!tpu.dma_semaphore, #tpu.memory_space<semaphore_mem>>)
      tpu.wait_dma2 semaphore(%run_scoped3A : memref<!tpu.dma_semaphore, #tpu.memory_space<semaphore_mem>>) src(%arg3 : memref<6272xi32, #tpu.memory_space<hbm>>) dst(%arg9 : memref<6272xi32, #tpu.memory_space<vmem>>)
      tpu.yield
    }) : () -> ()
    %swap3A = arith.constant 0 : index
    %swap3A_2 = tpu.vector_load %arg10[%swap3A] {strides = array<i32>} : memref<32xi32, #tpu.memory_space<vmem>>, vector<16xi32>,
    %swap3A_3 = vector.shape_cast %swap3A_2 : vector<16xi32> to vector<16xi32>
    %swap3A_4 = vector.shape_cast %broadcast_in_dim3A_1 : vector<16xi32> to vector<16xi32>
    tpu.vector_store %arg10[%swap3A], %swap3A_4 {strides = array<i32>} : memref<32xi32, #tpu.memory_space<vmem>>, vector<16xi32>,
    %swap3A_5 = arith.constant 16 : index
    %swap3A_6 = tpu.vector_load %arg10[%swap3A_5] {strides = array<i32>} : memref<32xi32, #tpu.memory_space<vmem>>, vector<16xi32>,
    %swap3A_7 = vector.shape_cast %swap3A_6 : vector<16xi32> to vector<16xi32>
    %swap3A_8 = vector.shape_cast %broadcast_in_dim3A_1 : vector<16xi32> to vector<16xi32>
    tpu.vector_store %arg10[%swap3A_5], %swap3A_8 {strides = array<i32>} : memref<32xi32, #tpu.memory_space<vmem>>, vector<16xi32>,
    %scan3A = arith.constant 0 : i32
    %scan3A_9 = arith.constant 0 : i32
    %scan3A_10 = arith.constant 32 : i32
    %scan3A_11 = arith.addi %scan3A_9, %scan3A_10 : i32
    %scan3A_12 = arith.constant 1 : i32
    scf.for %scan3A_30 = %scan3A_9 to %scan3A_11 step %scan3A_12  : i32 {
      %mul3A_31 = arith.constant 32 : i32
      %mul3A_32 = arith.muli %add3A, %mul3A_31 : i32
      %add3A_33 = arith.addi %mul3A_32, %scan3A_30 : i32
      %mul3A_34 = arith.constant 2 : i32
      %mul3A_35 = arith.muli %add3A_33, %mul3A_34 : i32
      %add3A_36 = arith.constant 1 : i32
      %add3A_37 = arith.addi %mul3A_35, %add3A_36 : i32
      %add3A_38 = arith.constant 0 : i32
      %add3A_39 = arith.constant 392 : i32
      %add3A_40 = arith.addi %add3A_38, %add3A_39 : i32
      %shift_right_arithmetic3A = arith.constant 1 : i32
      %shift_right_arithmetic3A_41 = arith.shrsi %add3A_40, %shift_right_arithmetic3A : i32
      %mul3A_42 = arith.constant 16 : i32
      %mul3A_43 = arith.muli %shift_right_arithmetic3A_41, %mul3A_42 : i32
      %get3A = arith.index_cast %mul3A_43 : i32 to index
      %get3A_44 = tpu.vector_load %arg8[%get3A] {strides = array<i32>} : memref<6272xi32, #tpu.memory_space<vmem>>, vector<16xi32>,
      %get3A_45 = vector.shape_cast %get3A_44 : vector<16xi32> to vector<16xi32>
      %slice3A = vector.extract_strided_slice %get3A_45 {offsets = [0], sizes = [1], strides = [1]} : vector<16xi32> to vector<1xi32>
      %squeeze3A = vector.extract %slice3A[0] : i32 from vector<1xi32>
      %le3A = arith.cmpi sle, %squeeze3A, %add3A_37 : i32
      %jit3A = arith.constant 0 : i32
      %select_n3A = arith.select %le3A, %shift_right_arithmetic3A_41, %jit3A : i32
      %jit3A_46 = arith.constant 392 : i32
      %select_n3A_47 = arith.select %le3A, %jit3A_46, %shift_right_arithmetic3A_41 : i32
      %add3A_48 = arith.addi %select_n3A, %select_n3A_47 : i32
      %shift_right_arithmetic3A_49 = arith.constant 1 : i32
      %shift_right_arithmetic3A_50 = arith.shrsi %add3A_48, %shift_right_arithmetic3A_49 : i32
      %mul3A_51 = arith.constant 16 : i32
      %mul3A_52 = arith.muli %shift_right_arithmetic3A_50, %mul3A_51 : i32
      %get3A_53 = arith.index_cast %mul3A_52 : i32 to index
      %get3A_54 = tpu.vector_load %arg8[%get3A_53] {strides = array<i32>} : memref<6272xi32, #tpu.memory_space<vmem>>, vector<16xi32>,
      %get3A_55 = vector.shape_cast %get3A_54 : vector<16xi32> to vector<16xi32>
      %slice3A_56 = vector.extract_strided_slice %get3A_55 {offsets = [0], sizes = [1], strides = [1]} : vector<16xi32> to vector<1xi32>
      %squeeze3A_57 = vector.extract %slice3A_56[0] : i32 from vector<1xi32>
      %le3A_58 = arith.cmpi sle, %squeeze3A_57, %add3A_37 : i32
      %select_n3A_59 = arith.select %le3A_58, %shift_right_arithmetic3A_50, %select_n3A : i32
      %select_n3A_60 = arith.select %le3A_58, %select_n3A_47, %shift_right_arithmetic3A_50 : i32
      %add3A_61 = arith.addi %select_n3A_59, %select_n3A_60 : i32
      %shift_right_arithmetic3A_62 = arith.constant 1 : i32
      %shift_right_arithmetic3A_63 = arith.shrsi %add3A_61, %shift_right_arithmetic3A_62 : i32
      %mul3A_64 = arith.constant 16 : i32
      %mul3A_65 = arith.muli %shift_right_arithmetic3A_63, %mul3A_64 : i32
      %get3A_66 = arith.index_cast %mul3A_65 : i32 to index
      %get3A_67 = tpu.vector_load %arg8[%get3A_66] {strides = array<i32>} : memref<6272xi32, #tpu.memory_space<vmem>>, vector<16xi32>,
      %get3A_68 = vector.shape_cast %get3A_67 : vector<16xi32> to vector<16xi32>
      %slice3A_69 = vector.extract_strided_slice %get3A_68 {offsets = [0], sizes = [1], strides = [1]} : vector<16xi32> to vector<1xi32>
      %squeeze3A_70 = vector.extract %slice3A_69[0] : i32 from vector<1xi32>
      %le3A_71 = arith.cmpi sle, %squeeze3A_70, %add3A_37 : i32
      %select_n3A_72 = arith.select %le3A_71, %shift_right_arithmetic3A_63, %select_n3A_59 : i32
      %select_n3A_73 = arith.select %le3A_71, %select_n3A_60, %shift_right_arithmetic3A_63 : i32
      %add3A_74 = arith.addi %select_n3A_72, %select_n3A_73 : i32
      %shift_right_arithmetic3A_75 = arith.constant 1 : i32
      %shift_right_arithmetic3A_76 = arith.shrsi %add3A_74, %shift_right_arithmetic3A_75 : i32
      %mul3A_77 = arith.constant 16 : i32
      %mul3A_78 = arith.muli %shift_right_arithmetic3A_76, %mul3A_77 : i32
      %get3A_79 = arith.index_cast %mul3A_78 : i32 to index
      %get3A_80 = tpu.vector_load %arg8[%get3A_79] {strides = array<i32>} : memref<6272xi32, #tpu.memory_space<vmem>>, vector<16xi32>,
      %get3A_81 = vector.shape_cast %get3A_80 : vector<16xi32> to vector<16xi32>
      %slice3A_82 = vector.extract_strided_slice %get3A_81 {offsets = [0], sizes = [1], strides = [1]} : vector<16xi32> to vector<1xi32>
      %squeeze3A_83 = vector.extract %slice3A_82[0] : i32 from vector<1xi32>
      %le3A_84 = arith.cmpi sle, %squeeze3A_83, %add3A_37 : i32
      %select_n3A_85 = arith.select %le3A_84, %shift_right_arithmetic3A_76, %select_n3A_72 : i32
      %select_n3A_86 = arith.select %le3A_84, %select_n3A_73, %shift_right_arithmetic3A_76 : i32
      %add3A_87 = arith.addi %select_n3A_85, %select_n3A_86 : i32
      %shift_right_arithmetic3A_88 = arith.constant 1 : i32
      %shift_right_arithmetic3A_89 = arith.shrsi %add3A_87, %shift_right_arithmetic3A_88 : i32
      %mul3A_90 = arith.constant 16 : i32
      %mul3A_91 = arith.muli %shift_right_arithmetic3A_89, %mul3A_90 : i32
      %get3A_92 = arith.index_cast %mul3A_91 : i32 to index
      %get3A_93 = tpu.vector_load %arg8[%get3A_92] {strides = array<i32>} : memref<6272xi32, #tpu.memory_space<vmem>>, vector<16xi32>,
      %get3A_94 = vector.shape_cast %get3A_93 : vector<16xi32> to vector<16xi32>
      %slice3A_95 = vector.extract_strided_slice %get3A_94 {offsets = [0], sizes = [1], strides = [1]} : vector<16xi32> to vector<1xi32>
      %squeeze3A_96 = vector.extract %slice3A_95[0] : i32 from vector<1xi32>
      %le3A_97 = arith.cmpi sle, %squeeze3A_96, %add3A_37 : i32
      %select_n3A_98 = arith.select %le3A_97, %shift_right_arithmetic3A_89, %select_n3A_85 : i32
      %select_n3A_99 = arith.select %le3A_97, %select_n3A_86, %shift_right_arithmetic3A_89 : i32
      %add3A_100 = arith.addi %select_n3A_98, %select_n3A_99 : i32
      %shift_right_arithmetic3A_101 = arith.constant 1 : i32
      %shift_right_arithmetic3A_102 = arith.shrsi %add3A_100, %shift_right_arithmetic3A_101 : i32
      %mul3A_103 = arith.constant 16 : i32
      %mul3A_104 = arith.muli %shift_right_arithmetic3A_102, %mul3A_103 : i32
      %get3A_105 = arith.index_cast %mul3A_104 : i32 to index
      %get3A_106 = tpu.vector_load %arg8[%get3A_105] {strides = array<i32>} : memref<6272xi32, #tpu.memory_space<vmem>>, vector<16xi32>,
      %get3A_107 = vector.shape_cast %get3A_106 : vector<16xi32> to vector<16xi32>
      %slice3A_108 = vector.extract_strided_slice %get3A_107 {offsets = [0], sizes = [1], strides = [1]} : vector<16xi32> to vector<1xi32>
      %squeeze3A_109 = vector.extract %slice3A_108[0] : i32 from vector<1xi32>
      %le3A_110 = arith.cmpi sle, %squeeze3A_109, %add3A_37 : i32
      %select_n3A_111 = arith.select %le3A_110, %shift_right_arithmetic3A_102, %select_n3A_98 : i32
      %select_n3A_112 = arith.select %le3A_110, %select_n3A_99, %shift_right_arithmetic3A_102 : i32
      %add3A_113 = arith.addi %select_n3A_111, %select_n3A_112 : i32
      %shift_right_arithmetic3A_114 = arith.constant 1 : i32
      %shift_right_arithmetic3A_115 = arith.shrsi %add3A_113, %shift_right_arithmetic3A_114 : i32
      %mul3A_116 = arith.constant 16 : i32
      %mul3A_117 = arith.muli %shift_right_arithmetic3A_115, %mul3A_116 : i32
      %get3A_118 = arith.index_cast %mul3A_117 : i32 to index
      %get3A_119 = tpu.vector_load %arg8[%get3A_118] {strides = array<i32>} : memref<6272xi32, #tpu.memory_space<vmem>>, vector<16xi32>,
      %get3A_120 = vector.shape_cast %get3A_119 : vector<16xi32> to vector<16xi32>
      %slice3A_121 = vector.extract_strided_slice %get3A_120 {offsets = [0], sizes = [1], strides = [1]} : vector<16xi32> to vector<1xi32>
      %squeeze3A_122 = vector.extract %slice3A_121[0] : i32 from vector<1xi32>
      %le3A_123 = arith.cmpi sle, %squeeze3A_122, %add3A_37 : i32
      %select_n3A_124 = arith.select %le3A_123, %shift_right_arithmetic3A_115, %select_n3A_111 : i32
      %select_n3A_125 = arith.select %le3A_123, %select_n3A_112, %shift_right_arithmetic3A_115 : i32
      %add3A_126 = arith.addi %select_n3A_124, %select_n3A_125 : i32
      %shift_right_arithmetic3A_127 = arith.constant 1 : i32
      %shift_right_arithmetic3A_128 = arith.shrsi %add3A_126, %shift_right_arithmetic3A_127 : i32
      %mul3A_129 = arith.constant 16 : i32
      %mul3A_130 = arith.muli %shift_right_arithmetic3A_128, %mul3A_129 : i32
      %get3A_131 = arith.index_cast %mul3A_130 : i32 to index
      %get3A_132 = tpu.vector_load %arg8[%get3A_131] {strides = array<i32>} : memref<6272xi32, #tpu.memory_space<vmem>>, vector<16xi32>,
      %get3A_133 = vector.shape_cast %get3A_132 : vector<16xi32> to vector<16xi32>
      %slice3A_134 = vector.extract_strided_slice %get3A_133 {offsets = [0], sizes = [1], strides = [1]} : vector<16xi32> to vector<1xi32>
      %squeeze3A_135 = vector.extract %slice3A_134[0] : i32 from vector<1xi32>
      %le3A_136 = arith.cmpi sle, %squeeze3A_135, %add3A_37 : i32
      %select_n3A_137 = arith.select %le3A_136, %shift_right_arithmetic3A_128, %select_n3A_124 : i32
      %select_n3A_138 = arith.select %le3A_136, %select_n3A_125, %shift_right_arithmetic3A_128 : i32
      %add3A_139 = arith.addi %select_n3A_137, %select_n3A_138 : i32
      %shift_right_arithmetic3A_140 = arith.constant 1 : i32
      %shift_right_arithmetic3A_141 = arith.shrsi %add3A_139, %shift_right_arithmetic3A_140 : i32
      %mul3A_142 = arith.constant 16 : i32
      %mul3A_143 = arith.muli %shift_right_arithmetic3A_141, %mul3A_142 : i32
      %get3A_144 = arith.index_cast %mul3A_143 : i32 to index
      %get3A_145 = tpu.vector_load %arg8[%get3A_144] {strides = array<i32>} : memref<6272xi32, #tpu.memory_space<vmem>>, vector<16xi32>,
      %get3A_146 = vector.shape_cast %get3A_145 : vector<16xi32> to vector<16xi32>
      %slice3A_147 = vector.extract_strided_slice %get3A_146 {offsets = [0], sizes = [1], strides = [1]} : vector<16xi32> to vector<1xi32>
      %squeeze3A_148 = vector.extract %slice3A_147[0] : i32 from vector<1xi32>
      %le3A_149 = arith.cmpi sle, %squeeze3A_148, %add3A_37 : i32
      %select_n3A_150 = arith.select %le3A_149, %shift_right_arithmetic3A_141, %select_n3A_137 : i32
      %select_n3A_151 = arith.select %le3A_149, %select_n3A_138, %shift_right_arithmetic3A_141 : i32
      %mul3A_152 = arith.constant 16 : i32
      %mul3A_153 = arith.muli %select_n3A_150, %mul3A_152 : i32
      %get3A_154 = arith.index_cast %mul3A_153 : i32 to index
      %get3A_155 = tpu.vector_load %arg8[%get3A_154] {strides = array<i32>} : memref<6272xi32, #tpu.memory_space<vmem>>, vector<16xi32>,
      %get3A_156 = vector.shape_cast %get3A_155 : vector<16xi32> to vector<16xi32>
      %mul3A_157 = arith.constant 16 : i32
      %mul3A_158 = arith.muli %select_n3A_150, %mul3A_157 : i32
      %get3A_159 = arith.index_cast %mul3A_158 : i32 to index
      %get3A_160 = tpu.vector_load %arg9[%get3A_159] {strides = array<i32>} : memref<6272xi32, #tpu.memory_space<vmem>>, vector<16xi32>,
      %get3A_161 = vector.shape_cast %get3A_160 : vector<16xi32> to vector<16xi32>
      %slice3A_162 = vector.extract_strided_slice %get3A_156 {offsets = [0], sizes = [1], strides = [1]} : vector<16xi32> to vector<1xi32>
      %squeeze3A_163 = vector.extract %slice3A_162[0] : i32 from vector<1xi32>
      %le3A_164 = arith.cmpi sle, %squeeze3A_163, %add3A_37 : i32
      %jit3A_165 = arith.constant 1 : i32
      %jit3A_166 = arith.constant 0 : i32
      %select_n3A_167 = arith.select %le3A_164, %jit3A_165, %jit3A_166 : i32
      %add3A_168 = arith.constant 0 : i32
      %add3A_169 = arith.addi %add3A_168, %select_n3A_167 : i32
      %slice3A_170 = vector.extract_strided_slice %get3A_156 {offsets = [1], sizes = [1], strides = [1]} : vector<16xi32> to vector<1xi32>
      %squeeze3A_171 = vector.extract %slice3A_170[0] : i32 from vector<1xi32>
      %le3A_172 = arith.cmpi sle, %squeeze3A_171, %add3A_37 : i32
      %jit3A_173 = arith.constant 1 : i32
      %jit3A_174 = arith.constant 0 : i32
      %select_n3A_175 = arith.select %le3A_172, %jit3A_173, %jit3A_174 : i32
      %add3A_176 = arith.addi %add3A_169, %select_n3A_175 : i32
      %slice3A_177 = vector.extract_strided_slice %get3A_156 {offsets = [2], sizes = [1], strides = [1]} : vector<16xi32> to vector<1xi32>
      %squeeze3A_178 = vector.extract %slice3A_177[0] : i32 from vector<1xi32>
      %le3A_179 = arith.cmpi sle, %squeeze3A_178, %add3A_37 : i32
      %jit3A_180 = arith.constant 1 : i32
      %jit3A_181 = arith.constant 0 : i32
      %select_n3A_182 = arith.select %le3A_179, %jit3A_180, %jit3A_181 : i32
      %add3A_183 = arith.addi %add3A_176, %select_n3A_182 : i32
      %slice3A_184 = vector.extract_strided_slice %get3A_156 {offsets = [3], sizes = [1], strides = [1]} : vector<16xi32> to vector<1xi32>
      %squeeze3A_185 = vector.extract %slice3A_184[0] : i32 from vector<1xi32>
      %le3A_186 = arith.cmpi sle, %squeeze3A_185, %add3A_37 : i32
      %jit3A_187 = arith.constant 1 : i32
      %jit3A_188 = arith.constant 0 : i32
      %select_n3A_189 = arith.select %le3A_186, %jit3A_187, %jit3A_188 : i32
      %add3A_190 = arith.addi %add3A_183, %select_n3A_189 : i32
      %slice3A_191 = vector.extract_strided_slice %get3A_156 {offsets = [4], sizes = [1], strides = [1]} : vector<16xi32> to vector<1xi32>
      %squeeze3A_192 = vector.extract %slice3A_191[0] : i32 from vector<1xi32>
      %le3A_193 = arith.cmpi sle, %squeeze3A_192, %add3A_37 : i32
      %jit3A_194 = arith.constant 1 : i32
      %jit3A_195 = arith.constant 0 : i32
      %select_n3A_196 = arith.select %le3A_193, %jit3A_194, %jit3A_195 : i32
      %add3A_197 = arith.addi %add3A_190, %select_n3A_196 : i32
      %slice3A_198 = vector.extract_strided_slice %get3A_156 {offsets = [5], sizes = [1], strides = [1]} : vector<16xi32> to vector<1xi32>
      %squeeze3A_199 = vector.extract %slice3A_198[0] : i32 from vector<1xi32>
      %le3A_200 = arith.cmpi sle, %squeeze3A_199, %add3A_37 : i32
      %jit3A_201 = arith.constant 1 : i32
      %jit3A_202 = arith.constant 0 : i32
      %select_n3A_203 = arith.select %le3A_200, %jit3A_201, %jit3A_202 : i32
      %add3A_204 = arith.addi %add3A_197, %select_n3A_203 : i32
      %slice3A_205 = vector.extract_strided_slice %get3A_156 {offsets = [6], sizes = [1], strides = [1]} : vector<16xi32> to vector<1xi32>
      %squeeze3A_206 = vector.extract %slice3A_205[0] : i32 from vector<1xi32>
      %le3A_207 = arith.cmpi sle, %squeeze3A_206, %add3A_37 : i32
      %jit3A_208 = arith.constant 1 : i32
      %jit3A_209 = arith.constant 0 : i32
      %select_n3A_210 = arith.select %le3A_207, %jit3A_208, %jit3A_209 : i32
      %add3A_211 = arith.addi %add3A_204, %select_n3A_210 : i32
      %slice3A_212 = vector.extract_strided_slice %get3A_156 {offsets = [7], sizes = [1], strides = [1]} : vector<16xi32> to vector<1xi32>
      %squeeze3A_213 = vector.extract %slice3A_212[0] : i32 from vector<1xi32>
      %le3A_214 = arith.cmpi sle, %squeeze3A_213, %add3A_37 : i32
      %jit3A_215 = arith.constant 1 : i32
      %jit3A_216 = arith.constant 0 : i32
      %select_n3A_217 = arith.select %le3A_214, %jit3A_215, %jit3A_216 : i32
      %add3A_218 = arith.addi %add3A_211, %select_n3A_217 : i32
      %slice3A_219 = vector.extract_strided_slice %get3A_156 {offsets = [8], sizes = [1], strides = [1]} : vector<16xi32> to vector<1xi32>
      %squeeze3A_220 = vector.extract %slice3A_219[0] : i32 from vector<1xi32>
      %le3A_221 = arith.cmpi sle, %squeeze3A_220, %add3A_37 : i32
      %jit3A_222 = arith.constant 1 : i32
      %jit3A_223 = arith.constant 0 : i32
      %select_n3A_224 = arith.select %le3A_221, %jit3A_222, %jit3A_223 : i32
      %add3A_225 = arith.addi %add3A_218, %select_n3A_224 : i32
      %slice3A_226 = vector.extract_strided_slice %get3A_156 {offsets = [9], sizes = [1], strides = [1]} : vector<16xi32> to vector<1xi32>
      %squeeze3A_227 = vector.extract %slice3A_226[0] : i32 from vector<1xi32>
      %le3A_228 = arith.cmpi sle, %squeeze3A_227, %add3A_37 : i32
      %jit3A_229 = arith.constant 1 : i32
      %jit3A_230 = arith.constant 0 : i32
      %select_n3A_231 = arith.select %le3A_228, %jit3A_229, %jit3A_230 : i32
      %add3A_232 = arith.addi %add3A_225, %select_n3A_231 : i32
      %slice3A_233 = vector.extract_strided_slice %get3A_156 {offsets = [10], sizes = [1], strides = [1]} : vector<16xi32> to vector<1xi32>
      %squeeze3A_234 = vector.extract %slice3A_233[0] : i32 from vector<1xi32>
      %le3A_235 = arith.cmpi sle, %squeeze3A_234, %add3A_37 : i32
      %jit3A_236 = arith.constant 1 : i32
      %jit3A_237 = arith.constant 0 : i32
      %select_n3A_238 = arith.select %le3A_235, %jit3A_236, %jit3A_237 : i32
      %add3A_239 = arith.addi %add3A_232, %select_n3A_238 : i32
      %slice3A_240 = vector.extract_strided_slice %get3A_156 {offsets = [11], sizes = [1], strides = [1]} : vector<16xi32> to vector<1xi32>
      %squeeze3A_241 = vector.extract %slice3A_240[0] : i32 from vector<1xi32>
      %le3A_242 = arith.cmpi sle, %squeeze3A_241, %add3A_37 : i32
      %jit3A_243 = arith.constant 1 : i32
      %jit3A_244 = arith.constant 0 : i32
      %select_n3A_245 = arith.select %le3A_242, %jit3A_243, %jit3A_244 : i32
      %add3A_246 = arith.addi %add3A_239, %select_n3A_245 : i32
      %slice3A_247 = vector.extract_strided_slice %get3A_156 {offsets = [12], sizes = [1], strides = [1]} : vector<16xi32> to vector<1xi32>
      %squeeze3A_248 = vector.extract %slice3A_247[0] : i32 from vector<1xi32>
      %le3A_249 = arith.cmpi sle, %squeeze3A_248, %add3A_37 : i32
      %jit3A_250 = arith.constant 1 : i32
      %jit3A_251 = arith.constant 0 : i32
      %select_n3A_252 = arith.select %le3A_249, %jit3A_250, %jit3A_251 : i32
      %add3A_253 = arith.addi %add3A_246, %select_n3A_252 : i32
      %slice3A_254 = vector.extract_strided_slice %get3A_156 {offsets = [13], sizes = [1], strides = [1]} : vector<16xi32> to vector<1xi32>
      %squeeze3A_255 = vector.extract %slice3A_254[0] : i32 from vector<1xi32>
      %le3A_256 = arith.cmpi sle, %squeeze3A_255, %add3A_37 : i32
      %jit3A_257 = arith.constant 1 : i32
      %jit3A_258 = arith.constant 0 : i32
      %select_n3A_259 = arith.select %le3A_256, %jit3A_257, %jit3A_258 : i32
      %add3A_260 = arith.addi %add3A_253, %select_n3A_259 : i32
      %slice3A_261 = vector.extract_strided_slice %get3A_156 {offsets = [14], sizes = [1], strides = [1]} : vector<16xi32> to vector<1xi32>
      %squeeze3A_262 = vector.extract %slice3A_261[0] : i32 from vector<1xi32>
      %le3A_263 = arith.cmpi sle, %squeeze3A_262, %add3A_37 : i32
      %jit3A_264 = arith.constant 1 : i32
      %jit3A_265 = arith.constant 0 : i32
      %select_n3A_266 = arith.select %le3A_263, %jit3A_264, %jit3A_265 : i32
      %add3A_267 = arith.addi %add3A_260, %select_n3A_266 : i32
      %slice3A_268 = vector.extract_strided_slice %get3A_156 {offsets = [15], sizes = [1], strides = [1]} : vector<16xi32> to vector<1xi32>
      %squeeze3A_269 = vector.extract %slice3A_268[0] : i32 from vector<1xi32>
      %le3A_270 = arith.cmpi sle, %squeeze3A_269, %add3A_37 : i32
      %jit3A_271 = arith.constant 1 : i32
      %jit3A_272 = arith.constant 0 : i32
      %select_n3A_273 = arith.select %le3A_270, %jit3A_271, %jit3A_272 : i32
      %add3A_274 = arith.addi %add3A_267, %select_n3A_273 : i32
      %sub3A = arith.constant 1 : i32
      %sub3A_275 = arith.subi %add3A_274, %sub3A : i32
      %eq3A = arith.constant 0 : i32
      %eq3A_276 = arith.cmpi eq, %sub3A_275, %eq3A : i32
      %slice3A_277 = vector.extract_strided_slice %get3A_156 {offsets = [0], sizes = [1], strides = [1]} : vector<16xi32> to vector<1xi32>
      %squeeze3A_278 = vector.extract %slice3A_277[0] : i32 from vector<1xi32>
      %jit3A_279 = arith.constant 0 : i32
      %select_n3A_280 = arith.select %eq3A_276, %squeeze3A_278, %jit3A_279 : i32
      %add3A_281 = arith.constant 0 : i32
      %add3A_282 = arith.addi %add3A_281, %select_n3A_280 : i32
      %eq3A_283 = arith.constant 0 : i32
      %eq3A_284 = arith.cmpi eq, %sub3A_275, %eq3A_283 : i32
      %slice3A_285 = vector.extract_strided_slice %get3A_161 {offsets = [0], sizes = [1], strides = [1]} : vector<16xi32> to vector<1xi32>
      %squeeze3A_286 = vector.extract %slice3A_285[0] : i32 from vector<1xi32>
      %jit3A_287 = arith.constant 0 : i32
      %select_n3A_288 = arith.select %eq3A_284, %squeeze3A_286, %jit3A_287 : i32
      %add3A_289 = arith.constant 0 : i32
      %add3A_290 = arith.addi %add3A_289, %select_n3A_288 : i32
      %eq3A_291 = arith.constant 1 : i32
      %eq3A_292 = arith.cmpi eq, %sub3A_275, %eq3A_291 : i32
      %slice3A_293 = vector.extract_strided_slice %get3A_156 {offsets = [1], sizes = [1], strides = [1]} : vector<16xi32> to vector<1xi32>
      %squeeze3A_294 = vector.extract %slice3A_293[0] : i32 from vector<1xi32>
      %jit3A_295 = arith.constant 0 : i32
      %select_n3A_296 = arith.select %eq3A_292, %squeeze3A_294, %jit3A_295 : i32
      %add3A_297 = arith.addi %add3A_282, %select_n3A_296 : i32
      %eq3A_298 = arith.constant 1 : i32
      %eq3A_299 = arith.cmpi eq, %sub3A_275, %eq3A_298 : i32
      %slice3A_300 = vector.extract_strided_slice %get3A_161 {offsets = [1], sizes = [1], strides = [1]} : vector<16xi32> to vector<1xi32>
      %squeeze3A_301 = vector.extract %slice3A_300[0] : i32 from vector<1xi32>
      %jit3A_302 = arith.constant 0 : i32
      %select_n3A_303 = arith.select %eq3A_299, %squeeze3A_301, %jit3A_302 : i32
      %add3A_304 = arith.addi %add3A_290, %select_n3A_303 : i32
      %eq3A_305 = arith.constant 2 : i32
      %eq3A_306 = arith.cmpi eq, %sub3A_275, %eq3A_305 : i32
      %slice3A_307 = vector.extract_strided_slice %get3A_156 {offsets = [2], sizes = [1], strides = [1]} : vector<16xi32> to vector<1xi32>
      %squeeze3A_308 = vector.extract %slice3A_307[0] : i32 from vector<1xi32>
      %jit3A_309 = arith.constant 0 : i32
      %select_n3A_310 = arith.select %eq3A_306, %squeeze3A_308, %jit3A_309 : i32
      %add3A_311 = arith.addi %add3A_297, %select_n3A_310 : i32
      %eq3A_312 = arith.constant 2 : i32
      %eq3A_313 = arith.cmpi eq, %sub3A_275, %eq3A_312 : i32
      %slice3A_314 = vector.extract_strided_slice %get3A_161 {offsets = [2], sizes = [1], strides = [1]} : vector<16xi32> to vector<1xi32>
      %squeeze3A_315 = vector.extract %slice3A_314[0] : i32 from vector<1xi32>
      %jit3A_316 = arith.constant 0 : i32
      %select_n3A_317 = arith.select %eq3A_313, %squeeze3A_315, %jit3A_316 : i32
      %add3A_318 = arith.addi %add3A_304, %select_n3A_317 : i32
      %eq3A_319 = arith.constant 3 : i32
      %eq3A_320 = arith.cmpi eq, %sub3A_275, %eq3A_319 : i32
      %slice3A_321 = vector.extract_strided_slice %get3A_156 {offsets = [3], sizes = [1], strides = [1]} : vector<16xi32> to vector<1xi32>
      %squeeze3A_322 = vector.extract %slice3A_321[0] : i32 from vector<1xi32>
      %jit3A_323 = arith.constant 0 : i32
      %select_n3A_324 = arith.select %eq3A_320, %squeeze3A_322, %jit3A_323 : i32
      %add3A_325 = arith.addi %add3A_311, %select_n3A_324 : i32
      %eq3A_326 = arith.constant 3 : i32
      %eq3A_327 = arith.cmpi eq, %sub3A_275, %eq3A_326 : i32
      %slice3A_328 = vector.extract_strided_slice %get3A_161 {offsets = [3], sizes = [1], strides = [1]} : vector<16xi32> to vector<1xi32>
      %squeeze3A_329 = vector.extract %slice3A_328[0] : i32 from vector<1xi32>
      %jit3A_330 = arith.constant 0 : i32
      %select_n3A_331 = arith.select %eq3A_327, %squeeze3A_329, %jit3A_330 : i32
      %add3A_332 = arith.addi %add3A_318, %select_n3A_331 : i32
      %eq3A_333 = arith.constant 4 : i32
      %eq3A_334 = arith.cmpi eq, %sub3A_275, %eq3A_333 : i32
      %slice3A_335 = vector.extract_strided_slice %get3A_156 {offsets = [4], sizes = [1], strides = [1]} : vector<16xi32> to vector<1xi32>
      %squeeze3A_336 = vector.extract %slice3A_335[0] : i32 from vector<1xi32>
      %jit3A_337 = arith.constant 0 : i32
      %select_n3A_338 = arith.select %eq3A_334, %squeeze3A_336, %jit3A_337 : i32
      %add3A_339 = arith.addi %add3A_325, %select_n3A_338 : i32
      %eq3A_340 = arith.constant 4 : i32
      %eq3A_341 = arith.cmpi eq, %sub3A_275, %eq3A_340 : i32
      %slice3A_342 = vector.extract_strided_slice %get3A_161 {offsets = [4], sizes = [1], strides = [1]} : vector<16xi32> to vector<1xi32>
      %squeeze3A_343 = vector.extract %slice3A_342[0] : i32 from vector<1xi32>
      %jit3A_344 = arith.constant 0 : i32
      %select_n3A_345 = arith.select %eq3A_341, %squeeze3A_343, %jit3A_344 : i32
      %add3A_346 = arith.addi %add3A_332, %select_n3A_345 : i32
      %eq3A_347 = arith.constant 5 : i32
      %eq3A_348 = arith.cmpi eq, %sub3A_275, %eq3A_347 : i32
      %slice3A_349 = vector.extract_strided_slice %get3A_156 {offsets = [5], sizes = [1], strides = [1]} : vector<16xi32> to vector<1xi32>
      %squeeze3A_350 = vector.extract %slice3A_349[0] : i32 from vector<1xi32>
      %jit3A_351 = arith.constant 0 : i32
      %select_n3A_352 = arith.select %eq3A_348, %squeeze3A_350, %jit3A_351 : i32
      %add3A_353 = arith.addi %add3A_339, %select_n3A_352 : i32
      %eq3A_354 = arith.constant 5 : i32
      %eq3A_355 = arith.cmpi eq, %sub3A_275, %eq3A_354 : i32
      %slice3A_356 = vector.extract_strided_slice %get3A_161 {offsets = [5], sizes = [1], strides = [1]} : vector<16xi32> to vector<1xi32>
      %squeeze3A_357 = vector.extract %slice3A_356[0] : i32 from vector<1xi32>
      %jit3A_358 = arith.constant 0 : i32
      %select_n3A_359 = arith.select %eq3A_355, %squeeze3A_357, %jit3A_358 : i32
      %add3A_360 = arith.addi %add3A_346, %select_n3A_359 : i32
      %eq3A_361 = arith.constant 6 : i32
      %eq3A_362 = arith.cmpi eq, %sub3A_275, %eq3A_361 : i32
      %slice3A_363 = vector.extract_strided_slice %get3A_156 {offsets = [6], sizes = [1], strides = [1]} : vector<16xi32> to vector<1xi32>
      %squeeze3A_364 = vector.extract %slice3A_363[0] : i32 from vector<1xi32>
      %jit3A_365 = arith.constant 0 : i32
      %select_n3A_366 = arith.select %eq3A_362, %squeeze3A_364, %jit3A_365 : i32
      %add3A_367 = arith.addi %add3A_353, %select_n3A_366 : i32
      %eq3A_368 = arith.constant 6 : i32
      %eq3A_369 = arith.cmpi eq, %sub3A_275, %eq3A_368 : i32
      %slice3A_370 = vector.extract_strided_slice %get3A_161 {offsets = [6], sizes = [1], strides = [1]} : vector<16xi32> to vector<1xi32>
      %squeeze3A_371 = vector.extract %slice3A_370[0] : i32 from vector<1xi32>
      %jit3A_372 = arith.constant 0 : i32
      %select_n3A_373 = arith.select %eq3A_369, %squeeze3A_371, %jit3A_372 : i32
      %add3A_374 = arith.addi %add3A_360, %select_n3A_373 : i32
      %eq3A_375 = arith.constant 7 : i32
      %eq3A_376 = arith.cmpi eq, %sub3A_275, %eq3A_375 : i32
      %slice3A_377 = vector.extract_strided_slice %get3A_156 {offsets = [7], sizes = [1], strides = [1]} : vector<16xi32> to vector<1xi32>
      %squeeze3A_378 = vector.extract %slice3A_377[0] : i32 from vector<1xi32>
      %jit3A_379 = arith.constant 0 : i32
      %select_n3A_380 = arith.select %eq3A_376, %squeeze3A_378, %jit3A_379 : i32
      %add3A_381 = arith.addi %add3A_367, %select_n3A_380 : i32
      %eq3A_382 = arith.constant 7 : i32
      %eq3A_383 = arith.cmpi eq, %sub3A_275, %eq3A_382 : i32
      %slice3A_384 = vector.extract_strided_slice %get3A_161 {offsets = [7], sizes = [1], strides = [1]} : vector<16xi32> to vector<1xi32>
      %squeeze3A_385 = vector.extract %slice3A_384[0] : i32 from vector<1xi32>
      %jit3A_386 = arith.constant 0 : i32
      %select_n3A_387 = arith.select %eq3A_383, %squeeze3A_385, %jit3A_386 : i32
      %add3A_388 = arith.addi %add3A_374, %select_n3A_387 : i32
      %eq3A_389 = arith.constant 8 : i32
      %eq3A_390 = arith.cmpi eq, %sub3A_275, %eq3A_389 : i32
      %slice3A_391 = vector.extract_strided_slice %get3A_156 {offsets = [8], sizes = [1], strides = [1]} : vector<16xi32> to vector<1xi32>
      %squeeze3A_392 = vector.extract %slice3A_391[0] : i32 from vector<1xi32>
      %jit3A_393 = arith.constant 0 : i32
      %select_n3A_394 = arith.select %eq3A_390, %squeeze3A_392, %jit3A_393 : i32
      %add3A_395 = arith.addi %add3A_381, %select_n3A_394 : i32
      %eq3A_396 = arith.constant 8 : i32
      %eq3A_397 = arith.cmpi eq, %sub3A_275, %eq3A_396 : i32
      %slice3A_398 = vector.extract_strided_slice %get3A_161 {offsets = [8], sizes = [1], strides = [1]} : vector<16xi32> to vector<1xi32>
      %squeeze3A_399 = vector.extract %slice3A_398[0] : i32 from vector<1xi32>
      %jit3A_400 = arith.constant 0 : i32
      %select_n3A_401 = arith.select %eq3A_397, %squeeze3A_399, %jit3A_400 : i32
      %add3A_402 = arith.addi %add3A_388, %select_n3A_401 : i32
      %eq3A_403 = arith.constant 9 : i32
      %eq3A_404 = arith.cmpi eq, %sub3A_275, %eq3A_403 : i32
      %slice3A_405 = vector.extract_strided_slice %get3A_156 {offsets = [9], sizes = [1], strides = [1]} : vector<16xi32> to vector<1xi32>
      %squeeze3A_406 = vector.extract %slice3A_405[0] : i32 from vector<1xi32>
      %jit3A_407 = arith.constant 0 : i32
      %select_n3A_408 = arith.select %eq3A_404, %squeeze3A_406, %jit3A_407 : i32
      %add3A_409 = arith.addi %add3A_395, %select_n3A_408 : i32
      %eq3A_410 = arith.constant 9 : i32
      %eq3A_411 = arith.cmpi eq, %sub3A_275, %eq3A_410 : i32
      %slice3A_412 = vector.extract_strided_slice %get3A_161 {offsets = [9], sizes = [1], strides = [1]} : vector<16xi32> to vector<1xi32>
      %squeeze3A_413 = vector.extract %slice3A_412[0] : i32 from vector<1xi32>
      %jit3A_414 = arith.constant 0 : i32
      %select_n3A_415 = arith.select %eq3A_411, %squeeze3A_413, %jit3A_414 : i32
      %add3A_416 = arith.addi %add3A_402, %select_n3A_415 : i32
      %eq3A_417 = arith.constant 10 : i32
      %eq3A_418 = arith.cmpi eq, %sub3A_275, %eq3A_417 : i32
      %slice3A_419 = vector.extract_strided_slice %get3A_156 {offsets = [10], sizes = [1], strides = [1]} : vector<16xi32> to vector<1xi32>
      %squeeze3A_420 = vector.extract %slice3A_419[0] : i32 from vector<1xi32>
      %jit3A_421 = arith.constant 0 : i32
      %select_n3A_422 = arith.select %eq3A_418, %squeeze3A_420, %jit3A_421 : i32
      %add3A_423 = arith.addi %add3A_409, %select_n3A_422 : i32
      %eq3A_424 = arith.constant 10 : i32
      %eq3A_425 = arith.cmpi eq, %sub3A_275, %eq3A_424 : i32
      %slice3A_426 = vector.extract_strided_slice %get3A_161 {offsets = [10], sizes = [1], strides = [1]} : vector<16xi32> to vector<1xi32>
      %squeeze3A_427 = vector.extract %slice3A_426[0] : i32 from vector<1xi32>
      %jit3A_428 = arith.constant 0 : i32
      %select_n3A_429 = arith.select %eq3A_425, %squeeze3A_427, %jit3A_428 : i32
      %add3A_430 = arith.addi %add3A_416, %select_n3A_429 : i32
      %eq3A_431 = arith.constant 11 : i32
      %eq3A_432 = arith.cmpi eq, %sub3A_275, %eq3A_431 : i32
      %slice3A_433 = vector.extract_strided_slice %get3A_156 {offsets = [11], sizes = [1], strides = [1]} : vector<16xi32> to vector<1xi32>
      %squeeze3A_434 = vector.extract %slice3A_433[0] : i32 from vector<1xi32>
      %jit3A_435 = arith.constant 0 : i32
      %select_n3A_436 = arith.select %eq3A_432, %squeeze3A_434, %jit3A_435 : i32
      %add3A_437 = arith.addi %add3A_423, %select_n3A_436 : i32
      %eq3A_438 = arith.constant 11 : i32
      %eq3A_439 = arith.cmpi eq, %sub3A_275, %eq3A_438 : i32
      %slice3A_440 = vector.extract_strided_slice %get3A_161 {offsets = [11], sizes = [1], strides = [1]} : vector<16xi32> to vector<1xi32>
      %squeeze3A_441 = vector.extract %slice3A_440[0] : i32 from vector<1xi32>
      %jit3A_442 = arith.constant 0 : i32
      %select_n3A_443 = arith.select %eq3A_439, %squeeze3A_441, %jit3A_442 : i32
      %add3A_444 = arith.addi %add3A_430, %select_n3A_443 : i32
      %eq3A_445 = arith.constant 12 : i32
      %eq3A_446 = arith.cmpi eq, %sub3A_275, %eq3A_445 : i32
      %slice3A_447 = vector.extract_strided_slice %get3A_156 {offsets = [12], sizes = [1], strides = [1]} : vector<16xi32> to vector<1xi32>
      %squeeze3A_448 = vector.extract %slice3A_447[0] : i32 from vector<1xi32>
      %jit3A_449 = arith.constant 0 : i32
      %select_n3A_450 = arith.select %eq3A_446, %squeeze3A_448, %jit3A_449 : i32
      %add3A_451 = arith.addi %add3A_437, %select_n3A_450 : i32
      %eq3A_452 = arith.constant 12 : i32
      %eq3A_453 = arith.cmpi eq, %sub3A_275, %eq3A_452 : i32
      %slice3A_454 = vector.extract_strided_slice %get3A_161 {offsets = [12], sizes = [1], strides = [1]} : vector<16xi32> to vector<1xi32>
      %squeeze3A_455 = vector.extract %slice3A_454[0] : i32 from vector<1xi32>
      %jit3A_456 = arith.constant 0 : i32
      %select_n3A_457 = arith.select %eq3A_453, %squeeze3A_455, %jit3A_456 : i32
      %add3A_458 = arith.addi %add3A_444, %select_n3A_457 : i32
      %eq3A_459 = arith.constant 13 : i32
      %eq3A_460 = arith.cmpi eq, %sub3A_275, %eq3A_459 : i32
      %slice3A_461 = vector.extract_strided_slice %get3A_156 {offsets = [13], sizes = [1], strides = [1]} : vector<16xi32> to vector<1xi32>
      %squeeze3A_462 = vector.extract %slice3A_461[0] : i32 from vector<1xi32>
      %jit3A_463 = arith.constant 0 : i32
      %select_n3A_464 = arith.select %eq3A_460, %squeeze3A_462, %jit3A_463 : i32
      %add3A_465 = arith.addi %add3A_451, %select_n3A_464 : i32
      %eq3A_466 = arith.constant 13 : i32
      %eq3A_467 = arith.cmpi eq, %sub3A_275, %eq3A_466 : i32
      %slice3A_468 = vector.extract_strided_slice %get3A_161 {offsets = [13], sizes = [1], strides = [1]} : vector<16xi32> to vector<1xi32>
      %squeeze3A_469 = vector.extract %slice3A_468[0] : i32 from vector<1xi32>
      %jit3A_470 = arith.constant 0 : i32
      %select_n3A_471 = arith.select %eq3A_467, %squeeze3A_469, %jit3A_470 : i32
      %add3A_472 = arith.addi %add3A_458, %select_n3A_471 : i32
      %eq3A_473 = arith.constant 14 : i32
      %eq3A_474 = arith.cmpi eq, %sub3A_275, %eq3A_473 : i32
      %slice3A_475 = vector.extract_strided_slice %get3A_156 {offsets = [14], sizes = [1], strides = [1]} : vector<16xi32> to vector<1xi32>
      %squeeze3A_476 = vector.extract %slice3A_475[0] : i32 from vector<1xi32>
      %jit3A_477 = arith.constant 0 : i32
      %select_n3A_478 = arith.select %eq3A_474, %squeeze3A_476, %jit3A_477 : i32
      %add3A_479 = arith.addi %add3A_465, %select_n3A_478 : i32
      %eq3A_480 = arith.constant 14 : i32
      %eq3A_481 = arith.cmpi eq, %sub3A_275, %eq3A_480 : i32
      %slice3A_482 = vector.extract_strided_slice %get3A_161 {offsets = [14], sizes = [1], strides = [1]} : vector<16xi32> to vector<1xi32>
      %squeeze3A_483 = vector.extract %slice3A_482[0] : i32 from vector<1xi32>
      %jit3A_484 = arith.constant 0 : i32
      %select_n3A_485 = arith.select %eq3A_481, %squeeze3A_483, %jit3A_484 : i32
      %add3A_486 = arith.addi %add3A_472, %select_n3A_485 : i32
      %eq3A_487 = arith.constant 15 : i32
      %eq3A_488 = arith.cmpi eq, %sub3A_275, %eq3A_487 : i32
      %slice3A_489 = vector.extract_strided_slice %get3A_156 {offsets = [15], sizes = [1], strides = [1]} : vector<16xi32> to vector<1xi32>
      %squeeze3A_490 = vector.extract %slice3A_489[0] : i32 from vector<1xi32>
      %jit3A_491 = arith.constant 0 : i32
      %select_n3A_492 = arith.select %eq3A_488, %squeeze3A_490, %jit3A_491 : i32
      %add3A_493 = arith.addi %add3A_479, %select_n3A_492 : i32
      %eq3A_494 = arith.constant 15 : i32
      %eq3A_495 = arith.cmpi eq, %sub3A_275, %eq3A_494 : i32
      %slice3A_496 = vector.extract_strided_slice %get3A_161 {offsets = [15], sizes = [1], strides = [1]} : vector<16xi32> to vector<1xi32>
      %squeeze3A_497 = vector.extract %slice3A_496[0] : i32 from vector<1xi32>
      %jit3A_498 = arith.constant 0 : i32
      %select_n3A_499 = arith.select %eq3A_495, %squeeze3A_497, %jit3A_498 : i32
      %add3A_500 = arith.addi %add3A_486, %select_n3A_499 : i32
      %shift_right_arithmetic3A_501 = arith.constant 1 : i32
      %shift_right_arithmetic3A_502 = arith.shrsi %add3A_493, %shift_right_arithmetic3A_501 : i32
      %sub3A_503 = arith.subi %add3A_33, %shift_right_arithmetic3A_502 : i32
      %shift_right_arithmetic3A_504 = arith.constant 0 : i32
      %shift_right_arithmetic3A_505 = arith.shrsi %add3A_500, %shift_right_arithmetic3A_504 : i32
      %and3A = arith.constant 1 : i32
      %and3A_506 = arith.andi %shift_right_arithmetic3A_505, %and3A : i32
      %add3A_507 = arith.constant 0 : i32
      %add3A_508 = arith.addi %add3A_507, %and3A_506 : i32
      %gt3A = arith.constant 0 : i32
      %gt3A_509 = arith.cmpi sgt, %and3A_506, %gt3A : i32
      %add3A_510 = arith.constant 1 : i32
      %add3A_511 = arith.addi %sub3A_503, %add3A_510 : i32
      %eq3A_512 = arith.cmpi eq, %add3A_508, %add3A_511 : i32
      %jit3A_513 = arith.constant 16 : i32
      %jit3A_514 = arith.constant 0 : i32
      %select_n3A_515 = arith.select %eq3A_512, %jit3A_513, %jit3A_514 : i32
      %jit3A_516 = arith.constant 0 : i32
      %select_n3A_517 = arith.select %gt3A_509, %select_n3A_515, %jit3A_516 : i32
      %add3A_518 = arith.constant 0 : i32
      %add3A_519 = arith.addi %add3A_518, %select_n3A_517 : i32
      %shift_right_arithmetic3A_520 = arith.constant 1 : i32
      %shift_right_arithmetic3A_521 = arith.shrsi %add3A_500, %shift_right_arithmetic3A_520 : i32
      %and3A_522 = arith.constant 1 : i32
      %and3A_523 = arith.andi %shift_right_arithmetic3A_521, %and3A_522 : i32
      %add3A_524 = arith.addi %add3A_508, %and3A_523 : i32
      %gt3A_525 = arith.constant 0 : i32
      %gt3A_526 = arith.cmpi sgt, %and3A_523, %gt3A_525 : i32
      %add3A_527 = arith.constant 1 : i32
      %add3A_528 = arith.addi %sub3A_503, %add3A_527 : i32
      %eq3A_529 = arith.cmpi eq, %add3A_524, %add3A_528 : i32
      %jit3A_530 = arith.constant 17 : i32
      %jit3A_531 = arith.constant 0 : i32
      %select_n3A_532 = arith.select %eq3A_529, %jit3A_530, %jit3A_531 : i32
      %jit3A_533 = arith.constant 0 : i32
      %select_n3A_534 = arith.select %gt3A_526, %select_n3A_532, %jit3A_533 : i32
      %add3A_535 = arith.addi %add3A_519, %select_n3A_534 : i32
      %shift_right_arithmetic3A_536 = arith.constant 2 : i32
      %shift_right_arithmetic3A_537 = arith.shrsi %add3A_500, %shift_right_arithmetic3A_536 : i32
      %and3A_538 = arith.constant 1 : i32
      %and3A_539 = arith.andi %shift_right_arithmetic3A_537, %and3A_538 : i32
      %add3A_540 = arith.addi %add3A_524, %and3A_539 : i32
      %gt3A_541 = arith.constant 0 : i32
      %gt3A_542 = arith.cmpi sgt, %and3A_539, %gt3A_541 : i32
      %add3A_543 = arith.constant 1 : i32
      %add3A_544 = arith.addi %sub3A_503, %add3A_543 : i32
      %eq3A_545 = arith.cmpi eq, %add3A_540, %add3A_544 : i32
      %jit3A_546 = arith.constant 18 : i32
      %jit3A_547 = arith.constant 0 : i32
      %select_n3A_548 = arith.select %eq3A_545, %jit3A_546, %jit3A_547 : i32
      %jit3A_549 = arith.constant 0 : i32
      %select_n3A_550 = arith.select %gt3A_542, %select_n3A_548, %jit3A_549 : i32
      %add3A_551 = arith.addi %add3A_535, %select_n3A_550 : i32
      %shift_right_arithmetic3A_552 = arith.constant 3 : i32
      %shift_right_arithmetic3A_553 = arith.shrsi %add3A_500, %shift_right_arithmetic3A_552 : i32
      %and3A_554 = arith.constant 1 : i32
      %and3A_555 = arith.andi %shift_right_arithmetic3A_553, %and3A_554 : i32
      %add3A_556 = arith.addi %add3A_540, %and3A_555 : i32
      %gt3A_557 = arith.constant 0 : i32
      %gt3A_558 = arith.cmpi sgt, %and3A_555, %gt3A_557 : i32
      %add3A_559 = arith.constant 1 : i32
      %add3A_560 = arith.addi %sub3A_503, %add3A_559 : i32
      %eq3A_561 = arith.cmpi eq, %add3A_556, %add3A_560 : i32
      %jit3A_562 = arith.constant 19 : i32
      %jit3A_563 = arith.constant 0 : i32
      %select_n3A_564 = arith.select %eq3A_561, %jit3A_562, %jit3A_563 : i32
      %jit3A_565 = arith.constant 0 : i32
      %select_n3A_566 = arith.select %gt3A_558, %select_n3A_564, %jit3A_565 : i32
      %add3A_567 = arith.addi %add3A_551, %select_n3A_566 : i32
      %shift_right_arithmetic3A_568 = arith.constant 4 : i32
      %shift_right_arithmetic3A_569 = arith.shrsi %add3A_500, %shift_right_arithmetic3A_568 : i32
      %and3A_570 = arith.constant 1 : i32
      %and3A_571 = arith.andi %shift_right_arithmetic3A_569, %and3A_570 : i32
      %add3A_572 = arith.addi %add3A_556, %and3A_571 : i32
      %gt3A_573 = arith.constant 0 : i32
      %gt3A_574 = arith.cmpi sgt, %and3A_571, %gt3A_573 : i32
      %add3A_575 = arith.constant 1 : i32
      %add3A_576 = arith.addi %sub3A_503, %add3A_575 : i32
      %eq3A_577 = arith.cmpi eq, %add3A_572, %add3A_576 : i32
      %jit3A_578 = arith.constant 20 : i32
      %jit3A_579 = arith.constant 0 : i32
      %select_n3A_580 = arith.select %eq3A_577, %jit3A_578, %jit3A_579 : i32
      %jit3A_581 = arith.constant 0 : i32
      %select_n3A_582 = arith.select %gt3A_574, %select_n3A_580, %jit3A_581 : i32
      %add3A_583 = arith.addi %add3A_567, %select_n3A_582 : i32
      %shift_right_arithmetic3A_584 = arith.constant 5 : i32
      %shift_right_arithmetic3A_585 = arith.shrsi %add3A_500, %shift_right_arithmetic3A_584 : i32
      %and3A_586 = arith.constant 1 : i32
      %and3A_587 = arith.andi %shift_right_arithmetic3A_585, %and3A_586 : i32
      %add3A_588 = arith.addi %add3A_572, %and3A_587 : i32
      %gt3A_589 = arith.constant 0 : i32
      %gt3A_590 = arith.cmpi sgt, %and3A_587, %gt3A_589 : i32
      %add3A_591 = arith.constant 1 : i32
      %add3A_592 = arith.addi %sub3A_503, %add3A_591 : i32
      %eq3A_593 = arith.cmpi eq, %add3A_588, %add3A_592 : i32
      %jit3A_594 = arith.constant 21 : i32
      %jit3A_595 = arith.constant 0 : i32
      %select_n3A_596 = arith.select %eq3A_593, %jit3A_594, %jit3A_595 : i32
      %jit3A_597 = arith.constant 0 : i32
      %select_n3A_598 = arith.select %gt3A_590, %select_n3A_596, %jit3A_597 : i32
      %add3A_599 = arith.addi %add3A_583, %select_n3A_598 : i32
      %shift_right_arithmetic3A_600 = arith.constant 6 : i32
      %shift_right_arithmetic3A_601 = arith.shrsi %add3A_500, %shift_right_arithmetic3A_600 : i32
      %and3A_602 = arith.constant 1 : i32
      %and3A_603 = arith.andi %shift_right_arithmetic3A_601, %and3A_602 : i32
      %add3A_604 = arith.addi %add3A_588, %and3A_603 : i32
      %gt3A_605 = arith.constant 0 : i32
      %gt3A_606 = arith.cmpi sgt, %and3A_603, %gt3A_605 : i32
      %add3A_607 = arith.constant 1 : i32
      %add3A_608 = arith.addi %sub3A_503, %add3A_607 : i32
      %eq3A_609 = arith.cmpi eq, %add3A_604, %add3A_608 : i32
      %jit3A_610 = arith.constant 22 : i32
      %jit3A_611 = arith.constant 0 : i32
      %select_n3A_612 = arith.select %eq3A_609, %jit3A_610, %jit3A_611 : i32
      %jit3A_613 = arith.constant 0 : i32
      %select_n3A_614 = arith.select %gt3A_606, %select_n3A_612, %jit3A_613 : i32
      %add3A_615 = arith.addi %add3A_599, %select_n3A_614 : i32
      %shift_right_arithmetic3A_616 = arith.constant 7 : i32
      %shift_right_arithmetic3A_617 = arith.shrsi %add3A_500, %shift_right_arithmetic3A_616 : i32
      %and3A_618 = arith.constant 1 : i32
      %and3A_619 = arith.andi %shift_right_arithmetic3A_617, %and3A_618 : i32
      %add3A_620 = arith.addi %add3A_604, %and3A_619 : i32
      %gt3A_621 = arith.constant 0 : i32
      %gt3A_622 = arith.cmpi sgt, %and3A_619, %gt3A_621 : i32
      %add3A_623 = arith.constant 1 : i32
      %add3A_624 = arith.addi %sub3A_503, %add3A_623 : i32
      %eq3A_625 = arith.cmpi eq, %add3A_620, %add3A_624 : i32
      %jit3A_626 = arith.constant 23 : i32
      %jit3A_627 = arith.constant 0 : i32
      %select_n3A_628 = arith.select %eq3A_625, %jit3A_626, %jit3A_627 : i32
      %jit3A_629 = arith.constant 0 : i32
      %select_n3A_630 = arith.select %gt3A_622, %select_n3A_628, %jit3A_629 : i32
      %add3A_631 = arith.addi %add3A_615, %select_n3A_630 : i32
      %shift_right_arithmetic3A_632 = arith.constant 8 : i32
      %shift_right_arithmetic3A_633 = arith.shrsi %add3A_500, %shift_right_arithmetic3A_632 : i32
      %and3A_634 = arith.constant 1 : i32
      %and3A_635 = arith.andi %shift_right_arithmetic3A_633, %and3A_634 : i32
      %add3A_636 = arith.addi %add3A_620, %and3A_635 : i32
      %gt3A_637 = arith.constant 0 : i32
      %gt3A_638 = arith.cmpi sgt, %and3A_635, %gt3A_637 : i32
      %add3A_639 = arith.constant 1 : i32
      %add3A_640 = arith.addi %sub3A_503, %add3A_639 : i32
      %eq3A_641 = arith.cmpi eq, %add3A_636, %add3A_640 : i32
      %jit3A_642 = arith.constant 24 : i32
      %jit3A_643 = arith.constant 0 : i32
      %select_n3A_644 = arith.select %eq3A_641, %jit3A_642, %jit3A_643 : i32
      %jit3A_645 = arith.constant 0 : i32
      %select_n3A_646 = arith.select %gt3A_638, %select_n3A_644, %jit3A_645 : i32
      %add3A_647 = arith.addi %add3A_631, %select_n3A_646 : i32
      %shift_right_arithmetic3A_648 = arith.constant 9 : i32
      %shift_right_arithmetic3A_649 = arith.shrsi %add3A_500, %shift_right_arithmetic3A_648 : i32
      %and3A_650 = arith.constant 1 : i32
      %and3A_651 = arith.andi %shift_right_arithmetic3A_649, %and3A_650 : i32
      %add3A_652 = arith.addi %add3A_636, %and3A_651 : i32
      %gt3A_653 = arith.constant 0 : i32
      %gt3A_654 = arith.cmpi sgt, %and3A_651, %gt3A_653 : i32
      %add3A_655 = arith.constant 1 : i32
      %add3A_656 = arith.addi %sub3A_503, %add3A_655 : i32
      %eq3A_657 = arith.cmpi eq, %add3A_652, %add3A_656 : i32
      %jit3A_658 = arith.constant 25 : i32
      %jit3A_659 = arith.constant 0 : i32
      %select_n3A_660 = arith.select %eq3A_657, %jit3A_658, %jit3A_659 : i32
      %jit3A_661 = arith.constant 0 : i32
      %select_n3A_662 = arith.select %gt3A_654, %select_n3A_660, %jit3A_661 : i32
      %add3A_663 = arith.addi %add3A_647, %select_n3A_662 : i32
      %shift_right_arithmetic3A_664 = arith.constant 10 : i32
      %shift_right_arithmetic3A_665 = arith.shrsi %add3A_500, %shift_right_arithmetic3A_664 : i32
      %and3A_666 = arith.constant 1 : i32
      %and3A_667 = arith.andi %shift_right_arithmetic3A_665, %and3A_666 : i32
      %add3A_668 = arith.addi %add3A_652, %and3A_667 : i32
      %gt3A_669 = arith.constant 0 : i32
      %gt3A_670 = arith.cmpi sgt, %and3A_667, %gt3A_669 : i32
      %add3A_671 = arith.constant 1 : i32
      %add3A_672 = arith.addi %sub3A_503, %add3A_671 : i32
      %eq3A_673 = arith.cmpi eq, %add3A_668, %add3A_672 : i32
      %jit3A_674 = arith.constant 26 : i32
      %jit3A_675 = arith.constant 0 : i32
      %select_n3A_676 = arith.select %eq3A_673, %jit3A_674, %jit3A_675 : i32
      %jit3A_677 = arith.constant 0 : i32
      %select_n3A_678 = arith.select %gt3A_670, %select_n3A_676, %jit3A_677 : i32
      %add3A_679 = arith.addi %add3A_663, %select_n3A_678 : i32
      %shift_right_arithmetic3A_680 = arith.constant 11 : i32
      %shift_right_arithmetic3A_681 = arith.shrsi %add3A_500, %shift_right_arithmetic3A_680 : i32
      %and3A_682 = arith.constant 1 : i32
      %and3A_683 = arith.andi %shift_right_arithmetic3A_681, %and3A_682 : i32
      %add3A_684 = arith.addi %add3A_668, %and3A_683 : i32
      %gt3A_685 = arith.constant 0 : i32
      %gt3A_686 = arith.cmpi sgt, %and3A_683, %gt3A_685 : i32
      %add3A_687 = arith.constant 1 : i32
      %add3A_688 = arith.addi %sub3A_503, %add3A_687 : i32
      %eq3A_689 = arith.cmpi eq, %add3A_684, %add3A_688 : i32
      %jit3A_690 = arith.constant 27 : i32
      %jit3A_691 = arith.constant 0 : i32
      %select_n3A_692 = arith.select %eq3A_689, %jit3A_690, %jit3A_691 : i32
      %jit3A_693 = arith.constant 0 : i32
      %select_n3A_694 = arith.select %gt3A_686, %select_n3A_692, %jit3A_693 : i32
      %add3A_695 = arith.addi %add3A_679, %select_n3A_694 : i32
      %shift_right_arithmetic3A_696 = arith.constant 12 : i32
      %shift_right_arithmetic3A_697 = arith.shrsi %add3A_500, %shift_right_arithmetic3A_696 : i32
      %and3A_698 = arith.constant 1 : i32
      %and3A_699 = arith.andi %shift_right_arithmetic3A_697, %and3A_698 : i32
      %add3A_700 = arith.addi %add3A_684, %and3A_699 : i32
      %gt3A_701 = arith.constant 0 : i32
      %gt3A_702 = arith.cmpi sgt, %and3A_699, %gt3A_701 : i32
      %add3A_703 = arith.constant 1 : i32
      %add3A_704 = arith.addi %sub3A_503, %add3A_703 : i32
      %eq3A_705 = arith.cmpi eq, %add3A_700, %add3A_704 : i32
      %jit3A_706 = arith.constant 28 : i32
      %jit3A_707 = arith.constant 0 : i32
      %select_n3A_708 = arith.select %eq3A_705, %jit3A_706, %jit3A_707 : i32
      %jit3A_709 = arith.constant 0 : i32
      %select_n3A_710 = arith.select %gt3A_702, %select_n3A_708, %jit3A_709 : i32
      %add3A_711 = arith.addi %add3A_695, %select_n3A_710 : i32
      %shift_right_arithmetic3A_712 = arith.constant 13 : i32
      %shift_right_arithmetic3A_713 = arith.shrsi %add3A_500, %shift_right_arithmetic3A_712 : i32
      %and3A_714 = arith.constant 1 : i32
      %and3A_715 = arith.andi %shift_right_arithmetic3A_713, %and3A_714 : i32
      %add3A_716 = arith.addi %add3A_700, %and3A_715 : i32
      %gt3A_717 = arith.constant 0 : i32
      %gt3A_718 = arith.cmpi sgt, %and3A_715, %gt3A_717 : i32
      %add3A_719 = arith.constant 1 : i32
      %add3A_720 = arith.addi %sub3A_503, %add3A_719 : i32
      %eq3A_721 = arith.cmpi eq, %add3A_716, %add3A_720 : i32
      %jit3A_722 = arith.constant 29 : i32
      %jit3A_723 = arith.constant 0 : i32
      %select_n3A_724 = arith.select %eq3A_721, %jit3A_722, %jit3A_723 : i32
      %jit3A_725 = arith.constant 0 : i32
      %select_n3A_726 = arith.select %gt3A_718, %select_n3A_724, %jit3A_725 : i32
      %add3A_727 = arith.addi %add3A_711, %select_n3A_726 : i32
      %shift_right_arithmetic3A_728 = arith.constant 14 : i32
      %shift_right_arithmetic3A_729 = arith.shrsi %add3A_500, %shift_right_arithmetic3A_728 : i32
      %and3A_730 = arith.constant 1 : i32
      %and3A_731 = arith.andi %shift_right_arithmetic3A_729, %and3A_730 : i32
      %add3A_732 = arith.addi %add3A_716, %and3A_731 : i32
      %gt3A_733 = arith.constant 0 : i32
      %gt3A_734 = arith.cmpi sgt, %and3A_731, %gt3A_733 : i32
      %add3A_735 = arith.constant 1 : i32
      %add3A_736 = arith.addi %sub3A_503, %add3A_735 : i32
      %eq3A_737 = arith.cmpi eq, %add3A_732, %add3A_736 : i32
      %jit3A_738 = arith.constant 30 : i32
      %jit3A_739 = arith.constant 0 : i32
      %select_n3A_740 = arith.select %eq3A_737, %jit3A_738, %jit3A_739 : i32
      %jit3A_741 = arith.constant 0 : i32
      %select_n3A_742 = arith.select %gt3A_734, %select_n3A_740, %jit3A_741 : i32
      %add3A_743 = arith.addi %add3A_727, %select_n3A_742 : i32
      %shift_right_arithmetic3A_744 = arith.constant 15 : i32
      %shift_right_arithmetic3A_745 = arith.shrsi %add3A_500, %shift_right_arithmetic3A_744 : i32
      %and3A_746 = arith.constant 1 : i32
      %and3A_747 = arith.andi %shift_right_arithmetic3A_745, %and3A_746 : i32
      %add3A_748 = arith.addi %add3A_732, %and3A_747 : i32
      %gt3A_749 = arith.constant 0 : i32
      %gt3A_750 = arith.cmpi sgt, %and3A_747, %gt3A_749 : i32
      %add3A_751 = arith.constant 1 : i32
      %add3A_752 = arith.addi %sub3A_503, %add3A_751 : i32
      %eq3A_753 = arith.cmpi eq, %add3A_748, %add3A_752 : i32
      %jit3A_754 = arith.constant 31 : i32
      %jit3A_755 = arith.constant 0 : i32
      %select_n3A_756 = arith.select %eq3A_753, %jit3A_754, %jit3A_755 : i32
      %jit3A_757 = arith.constant 0 : i32
      %select_n3A_758 = arith.select %gt3A_750, %select_n3A_756, %jit3A_757 : i32
      %add3A_759 = arith.addi %add3A_743, %select_n3A_758 : i32
      %mul3A_760 = arith.constant 16 : i32
      %mul3A_761 = arith.muli %select_n3A_150, %mul3A_760 : i32
      %add3A_762 = arith.addi %mul3A_761, %sub3A_275 : i32
      %gt3A_763 = arith.constant 0 : i32
      %gt3A_764 = arith.cmpi sgt, %add3A_759, %gt3A_763 : i32
      %mul3A_765 = arith.constant 16 : i32
      %mul3A_766 = arith.muli %add3A_762, %mul3A_765 : i32
      %add3A_767 = arith.addi %mul3A_766, %add3A_759 : i32
      %sub3A_768 = arith.constant 16 : i32
      %sub3A_769 = arith.subi %add3A_767, %sub3A_768 : i32
      %jit3A_770 = arith.constant 0 : i32
      %select_n3A_771 = arith.select %gt3A_764, %sub3A_769, %jit3A_770 : i32
      %and3A_772 = arith.constant 15 : i32
      %and3A_773 = arith.andi %scan3A_30, %and3A_772 : i32
      %eq3A_774 = vector.broadcast %and3A_773 : i32 to vector<16xi32>
      %eq3A_775 = arith.cmpi eq, %iota3A, %eq3A_774 : vector<16xi32>
      %shift_right_arithmetic3A_776 = arith.constant 4 : i32
      %shift_right_arithmetic3A_777 = arith.shrsi %scan3A_30, %shift_right_arithmetic3A_776 : i32
      %mul3A_778 = arith.constant 16 : i32
      %mul3A_779 = arith.muli %shift_right_arithmetic3A_777, %mul3A_778 : i32
      %get3A_780 = arith.index_cast %mul3A_779 : i32 to index
      %get3A_781 = tpu.vector_load %arg10[%get3A_780] {strides = array<i32>} : memref<32xi32, #tpu.memory_space<vmem>>, vector<16xi32>,
      %get3A_782 = vector.shape_cast %get3A_781 : vector<16xi32> to vector<16xi32>
      %broadcast_in_dim3A_783 = vector.broadcast %select_n3A_771 : i32 to vector<16xi32>
      %select_n3A_784 = arith.select %eq3A_775, %broadcast_in_dim3A_783, %get3A_782 : vector<16xi1>, vector<16xi32>
      %swap3A_785 = arith.index_cast %mul3A_779 : i32 to index
      %swap3A_786 = tpu.vector_load %arg10[%swap3A_785] {strides = array<i32>} : memref<32xi32, #tpu.memory_space<vmem>>, vector<16xi32>,
      %swap3A_787 = vector.shape_cast %swap3A_786 : vector<16xi32> to vector<16xi32>
      %swap3A_788 = vector.shape_cast %select_n3A_784 : vector<16xi32> to vector<16xi32>
      tpu.vector_store %arg10[%swap3A_785], %swap3A_788 {strides = array<i32>} : memref<32xi32, #tpu.memory_space<vmem>>, vector<16xi32>,
    }
    %scan3A_13 = arith.constant 32 : i32
    %dma_start3A = arith.constant 0 : i32
    %dma_start3A_14 = arith.constant 0 : i32
    %dma_start3A_15 = tpu.memref_slice %arg5[%dma_start3A, %dma_start3A_14] : memref<100000x512xf32, #tpu.memory_space<hbm>> -> memref<100000x512xf32, #tpu.memory_space<hbm>>
    tpu.enqueue_indirect_dma source(%dma_start3A_15 : memref<100000x512xf32, #tpu.memory_space<hbm>>) target(%arg11 : memref<32x512xf32, #tpu.memory_space<vmem>>) offsets(%arg10 : memref<32xi32, #tpu.memory_space<vmem>>) semaphore(%arg12 : memref<!tpu.dma_semaphore, #tpu.memory_space<semaphore_mem>>)
    %dma_wait3A = arith.constant 0 : i32
    %dma_wait3A_16 = arith.constant 0 : i32
    %dma_wait3A_17 = tpu.memref_slice %arg5[%dma_wait3A, %dma_wait3A_16] : memref<100000x512xf32, #tpu.memory_space<hbm>> -> memref<100000x512xf32, #tpu.memory_space<hbm>>
    tpu.wait_indirect_dma semaphore(%arg12 : memref<!tpu.dma_semaphore, #tpu.memory_space<semaphore_mem>>) src(%dma_wait3A_17 : memref<100000x512xf32, #tpu.memory_space<hbm>>) dst(%arg11 : memref<32x512xf32, #tpu.memory_space<vmem>>)
    %mul3A_18 = arith.constant 32 : i32
    %mul3A_19 = arith.muli %add3A, %mul3A_18 : i32
    "tpu.region"() ({
      %run_scoped3A = tpu.sem_alloc : memref<!tpu.dma_semaphore, #tpu.memory_space<semaphore_mem>>
      %dma_start3A_30 = arith.constant 0 : i32
      %dma_start3A_31 = tpu.memref_slice %arg7[%mul3A_19, %dma_start3A_30] : memref<1024x512xf32, #tpu.memory_space<hbm>> -> memref<32x512xf32, #tpu.memory_space<hbm>>
      %dma_start3A_32 = arith.constant 0 : i32
      %dma_start3A_33 = tpu.memref_slice %arg7[%mul3A_19, %dma_start3A_32] : memref<1024x512xf32, #tpu.memory_space<hbm>> -> memref<32x512xf32, #tpu.memory_space<hbm>>
      tpu.enqueue_dma source(%arg11 : memref<32x512xf32, #tpu.memory_space<vmem>>) target(%dma_start3A_33 : memref<32x512xf32, #tpu.memory_space<hbm>>) target_semaphore(%run_scoped3A : memref<!tpu.dma_semaphore, #tpu.memory_space<semaphore_mem>>)
      %dma_wait3A_34 = arith.constant 0 : i32
      %dma_wait3A_35 = tpu.memref_slice %arg7[%mul3A_19, %dma_wait3A_34] : memref<1024x512xf32, #tpu.memory_space<hbm>> -> memref<32x512xf32, #tpu.memory_space<hbm>>
      %dma_wait3A_36 = arith.constant 0 : i32
      %dma_wait3A_37 = tpu.memref_slice %arg7[%mul3A_19, %dma_wait3A_36] : memref<1024x512xf32, #tpu.memory_space<hbm>> -> memref<32x512xf32, #tpu.memory_space<hbm>>
      tpu.wait_dma2 semaphore(%run_scoped3A : memref<!tpu.dma_semaphore, #tpu.memory_space<semaphore_mem>>) src(%arg11 : memref<32x512xf32, #tpu.memory_space<vmem>>) dst(%dma_wait3A_37 : memref<32x512xf32, #tpu.memory_space<hbm>>)
      tpu.yield
    }) : () -> ()
    %mul3A_20 = arith.constant 32 : i32
    %mul3A_21 = arith.muli %add3A, %mul3A_20 : i32
    "tpu.region"() ({
      %run_scoped3A = tpu.sem_alloc : memref<!tpu.dma_semaphore, #tpu.memory_space<semaphore_mem>>
      %dma_start3A_30 = tpu.memref_slice %arg4[%mul3A_21] : memref<1024xi32, #tpu.memory_space<hbm>> -> memref<32xi32, #tpu.memory_space<hbm>>
      %dma_start3A_31 = tpu.memref_slice %arg4[%mul3A_21] : memref<1024xi32, #tpu.memory_space<hbm>> -> memref<32xi32, #tpu.memory_space<hbm>>
      tpu.enqueue_dma source(%dma_start3A_31 : memref<32xi32, #tpu.memory_space<hbm>>) target(%arg10 : memref<32xi32, #tpu.memory_space<vmem>>) target_semaphore(%run_scoped3A : memref<!tpu.dma_semaphore, #tpu.memory_space<semaphore_mem>>)
      %dma_wait3A_32 = tpu.memref_slice %arg4[%mul3A_21] : memref<1024xi32, #tpu.memory_space<hbm>> -> memref<32xi32, #tpu.memory_space<hbm>>
      %dma_wait3A_33 = tpu.memref_slice %arg4[%mul3A_21] : memref<1024xi32, #tpu.memory_space<hbm>> -> memref<32xi32, #tpu.memory_space<hbm>>
      tpu.wait_dma2 semaphore(%run_scoped3A : memref<!tpu.dma_semaphore, #tpu.memory_space<semaphore_mem>>) src(%dma_wait3A_33 : memref<32xi32, #tpu.memory_space<hbm>>) dst(%arg10 : memref<32xi32, #tpu.memory_space<vmem>>)
      tpu.yield
    }) : () -> ()
    %dma_start3A_22 = arith.constant 0 : i32
    %dma_start3A_23 = arith.constant 0 : i32
    %dma_start3A_24 = tpu.memref_slice %arg5[%dma_start3A_22, %dma_start3A_23] : memref<100000x512xf32, #tpu.memory_space<hbm>> -> memref<100000x512xf32, #tpu.memory_space<hbm>>
    tpu.enqueue_indirect_dma source(%dma_start3A_24 : memref<100000x512xf32, #tpu.memory_space<hbm>>) target(%arg11 : memref<32x512xf32, #tpu.memory_space<vmem>>) offsets(%arg10 : memref<32xi32, #tpu.memory_space<vmem>>) semaphore(%arg12 : memref<!tpu.dma_semaphore, #tpu.memory_space<semaphore_mem>>)
    %dma_wait3A_25 = arith.constant 0 : i32
    %dma_wait3A_26 = arith.constant 0 : i32
    %dma_wait3A_27 = tpu.memref_slice %arg5[%dma_wait3A_25, %dma_wait3A_26] : memref<100000x512xf32, #tpu.memory_space<hbm>> -> memref<100000x512xf32, #tpu.memory_space<hbm>>
    tpu.wait_indirect_dma semaphore(%arg12 : memref<!tpu.dma_semaphore, #tpu.memory_space<semaphore_mem>>) src(%dma_wait3A_27 : memref<100000x512xf32, #tpu.memory_space<hbm>>) dst(%arg11 : memref<32x512xf32, #tpu.memory_space<vmem>>)
    %mul3A_28 = arith.constant 32 : i32
    %mul3A_29 = arith.muli %add3A, %mul3A_28 : i32
    "tpu.region"() ({
      %run_scoped3A = tpu.sem_alloc : memref<!tpu.dma_semaphore, #tpu.memory_space<semaphore_mem>>
      %dma_start3A_30 = arith.constant 0 : i32
      %dma_start3A_31 = tpu.memref_slice %arg6[%mul3A_29, %dma_start3A_30] : memref<1024x512xf32, #tpu.memory_space<hbm>> -> memref<32x512xf32, #tpu.memory_space<hbm>>
      %dma_start3A_32 = arith.constant 0 : i32
      %dma_start3A_33 = tpu.memref_slice %arg6[%mul3A_29, %dma_start3A_32] : memref<1024x512xf32, #tpu.memory_space<hbm>> -> memref<32x512xf32, #tpu.memory_space<hbm>>
      tpu.enqueue_dma source(%arg11 : memref<32x512xf32, #tpu.memory_space<vmem>>) target(%dma_start3A_33 : memref<32x512xf32, #tpu.memory_space<hbm>>) target_semaphore(%run_scoped3A : memref<!tpu.dma_semaphore, #tpu.memory_space<semaphore_mem>>)
      %dma_wait3A_34 = arith.constant 0 : i32
      %dma_wait3A_35 = tpu.memref_slice %arg6[%mul3A_29, %dma_wait3A_34] : memref<1024x512xf32, #tpu.memory_space<hbm>> -> memref<32x512xf32, #tpu.memory_space<hbm>>
      %dma_wait3A_36 = arith.constant 0 : i32
      %dma_wait3A_37 = tpu.memref_slice %arg6[%mul3A_29, %dma_wait3A_36] : memref<1024x512xf32, #tpu.memory_space<hbm>> -> memref<32x512xf32, #tpu.memory_space<hbm>>
      tpu.wait_dma2 semaphore(%run_scoped3A : memref<!tpu.dma_semaphore, #tpu.memory_space<semaphore_mem>>) src(%arg11 : memref<32x512xf32, #tpu.memory_space<vmem>>) dst(%dma_wait3A_37 : memref<32x512xf32, #tpu.memory_space<hbm>>)
      tpu.yield
    }) : () -> ()
    return
  }
}

module attributes {stable_mosaic.version = 14 : i64} {
  func.func @_loss_body(%arg0: memref<1x1xi32, #tpu.memory_space<smem>>, %arg1: memref<4x1024x512xf32, #tpu.memory_space<vmem>>, %arg2: memref<1024x512xf32, #tpu.memory_space<vmem>>, %arg3: memref<1024x512xf32, #tpu.memory_space<vmem>>, %arg4: memref<1024x512xf32, #tpu.memory_space<vmem>>, %arg5: memref<1x1xf32, #tpu.memory_space<vmem>>) attributes {dimension_semantics = [], scalar_prefetch = 0 : i64, scratch_operands = 0 : i64, tpu.core_type = #tpu.core_type<tc>} {
    %get3A = arith.constant 0 : index
    %get3A_0 = arith.constant 0 : index
    %get3A_1 = vector.load %arg2[%get3A, %get3A_0] : memref<1024x512xf32, #tpu.memory_space<vmem>>, vector<1024x512xf32>
    %mul3A = arith.mulf %get3A_1, %get3A_1 : vector<1024x512xf32>
    %reduce_sum3A = arith.constant dense<0.000000e+00> : vector<1024xf32>
    %reduce_sum3A_2 = vector.multi_reduction <add>, %mul3A, %reduce_sum3A [1] : vector<1024x512xf32> to vector<1024xf32>
    %broadcast_in_dim3A = vector.shape_cast %reduce_sum3A_2 : vector<1024xf32> to vector<1024x1xf32>
    %sqrt3A = math.sqrt %broadcast_in_dim3A : vector<1024x1xf32>
    %max3A = arith.constant 9.99999996E-13 : f32
    %max3A_3 = vector.broadcast %max3A : f32 to vector<1024x1xf32>
    %max3A_4 = arith.maximumf %sqrt3A, %max3A_3 : vector<1024x1xf32>
    %div3A = vector.broadcast %max3A_4 : vector<1024x1xf32> to vector<1024x512xf32>
    %div3A_5 = arith.divf %get3A_1, %div3A : vector<1024x512xf32>
    %get3A_6 = arith.constant 1 : index
    %get3A_7 = arith.constant 0 : index
    %get3A_8 = arith.constant 0 : index
    %get3A_9 = vector.load %arg1[%get3A_6, %get3A_7, %get3A_8] : memref<4x1024x512xf32, #tpu.memory_space<vmem>>, vector<3x1024x512xf32>
    %broadcast_in_dim3A_10 = vector.shape_cast %div3A_5 : vector<1024x512xf32> to vector<1x1024x512xf32>
    %mul3A_11 = vector.broadcast %broadcast_in_dim3A_10 : vector<1x1024x512xf32> to vector<3x1024x512xf32>
    %mul3A_12 = arith.mulf %get3A_9, %mul3A_11 : vector<3x1024x512xf32>
    %mul3A_13 = arith.mulf %mul3A_12, %mul3A_12 : vector<3x1024x512xf32>
    %reduce_sum3A_14 = arith.constant dense<0.000000e+00> : vector<3x1024xf32>
    %reduce_sum3A_15 = vector.multi_reduction <add>, %mul3A_13, %reduce_sum3A_14 [2] : vector<3x1024x512xf32> to vector<3x1024xf32>
    %broadcast_in_dim3A_16 = vector.shape_cast %reduce_sum3A_15 : vector<3x1024xf32> to vector<3x1024x1xf32>
    %sqrt3A_17 = math.sqrt %broadcast_in_dim3A_16 : vector<3x1024x1xf32>
    %max3A_18 = arith.constant 9.99999996E-13 : f32
    %max3A_19 = vector.broadcast %max3A_18 : f32 to vector<3x1024x1xf32>
    %max3A_20 = arith.maximumf %sqrt3A_17, %max3A_19 : vector<3x1024x1xf32>
    %div3A_21 = vector.broadcast %max3A_20 : vector<3x1024x1xf32> to vector<3x1024x512xf32>
    %div3A_22 = arith.divf %mul3A_12, %div3A_21 : vector<3x1024x512xf32>
    %get3A_23 = arith.constant 0 : index
    %get3A_24 = arith.constant 0 : index
    %get3A_25 = vector.load %arg3[%get3A_23, %get3A_24] : memref<1024x512xf32, #tpu.memory_space<vmem>>, vector<1024x512xf32>
    %mul3A_26 = arith.mulf %get3A_25, %get3A_25 : vector<1024x512xf32>
    %reduce_sum3A_27 = arith.constant dense<0.000000e+00> : vector<1024xf32>
    %reduce_sum3A_28 = vector.multi_reduction <add>, %mul3A_26, %reduce_sum3A_27 [1] : vector<1024x512xf32> to vector<1024xf32>
    %broadcast_in_dim3A_29 = vector.shape_cast %reduce_sum3A_28 : vector<1024xf32> to vector<1024x1xf32>
    %sqrt3A_30 = math.sqrt %broadcast_in_dim3A_29 : vector<1024x1xf32>
    %max3A_31 = arith.constant 9.99999996E-13 : f32
    %max3A_32 = vector.broadcast %max3A_31 : f32 to vector<1024x1xf32>
    %max3A_33 = arith.maximumf %sqrt3A_30, %max3A_32 : vector<1024x1xf32>
    %div3A_34 = vector.broadcast %max3A_33 : vector<1024x1xf32> to vector<1024x512xf32>
    %div3A_35 = arith.divf %get3A_25, %div3A_34 : vector<1024x512xf32>
    %broadcast_in_dim3A_36 = vector.shape_cast %div3A_35 : vector<1024x512xf32> to vector<1x1024x512xf32>
    %mul3A_37 = vector.broadcast %broadcast_in_dim3A_36 : vector<1x1024x512xf32> to vector<3x1024x512xf32>
    %mul3A_38 = arith.mulf %div3A_22, %mul3A_37 : vector<3x1024x512xf32>
    %reduce_sum3A_39 = arith.constant dense<0.000000e+00> : vector<3x1024xf32>
    %reduce_sum3A_40 = vector.multi_reduction <add>, %mul3A_38, %reduce_sum3A_39 [2] : vector<3x1024x512xf32> to vector<3x1024xf32>
    %div3A_41 = arith.constant 1.000000e-01 : f32
    %div3A_42 = vector.broadcast %div3A_41 : f32 to vector<3x1024xf32>
    %div3A_43 = arith.divf %reduce_sum3A_40, %div3A_42 : vector<3x1024xf32>
    %exp3A = math.exp %div3A_43 : vector<3x1024xf32>
    %reduce_sum3A_44 = arith.constant dense<0.000000e+00> : vector<1024xf32>
    %reduce_sum3A_45 = vector.multi_reduction <add>, %exp3A, %reduce_sum3A_44 [0] : vector<3x1024xf32> to vector<1024xf32>
    %broadcast_in_dim3A_46 = vector.shape_cast %reduce_sum3A_45 : vector<1024xf32> to vector<1x1024xf32>
    %get3A_47 = arith.constant 0 : index
    %get3A_48 = arith.constant 0 : index
    %get3A_49 = vector.load %arg4[%get3A_47, %get3A_48] : memref<1024x512xf32, #tpu.memory_space<vmem>>, vector<1024x512xf32>
    %mul3A_50 = arith.mulf %get3A_49, %get3A_49 : vector<1024x512xf32>
    %reduce_sum3A_51 = arith.constant dense<0.000000e+00> : vector<1024xf32>
    %reduce_sum3A_52 = vector.multi_reduction <add>, %mul3A_50, %reduce_sum3A_51 [1] : vector<1024x512xf32> to vector<1024xf32>
    %broadcast_in_dim3A_53 = vector.shape_cast %reduce_sum3A_52 : vector<1024xf32> to vector<1024x1xf32>
    %sqrt3A_54 = math.sqrt %broadcast_in_dim3A_53 : vector<1024x1xf32>
    %max3A_55 = arith.constant 9.99999996E-13 : f32
    %max3A_56 = vector.broadcast %max3A_55 : f32 to vector<1024x1xf32>
    %max3A_57 = arith.maximumf %sqrt3A_54, %max3A_56 : vector<1024x1xf32>
    %div3A_58 = vector.broadcast %max3A_57 : vector<1024x1xf32> to vector<1024x512xf32>
    %div3A_59 = arith.divf %get3A_49, %div3A_58 : vector<1024x512xf32>
    %dot_general3A = arith.constant dense<0.000000e+00> : vector<1024x1024xf32>
    %dot_general3A_60 = tpu.matmul %div3A_59, %div3A_35, %dot_general3A {dimension_numbers = #tpu.dot_dimension_numbers<[1], [1], [0], [0], [0, 0, 1, 0], [], []>, transpose_lhs_hint = false} : vector<1024x512xf32>, vector<1024x512xf32>, vector<1024x1024xf32> -> vector<1024x1024xf32>
    %iota3A = tpu.iota {dimensions = array<i32: 0>} : vector<1024x1024xi32>
    %get3A_61 = arith.constant 0 : index
    %get3A_62 = arith.constant 0 : index
    %get3A_63 = memref.load %arg0[%get3A_61, %get3A_62] : memref<1x1xi32, #tpu.memory_space<smem>>
    %lt3A = vector.broadcast %get3A_63 : i32 to vector<1024x1024xi32>
    %lt3A_64 = arith.cmpi slt, %iota3A, %lt3A : vector<1024x1024xi32>
    %div3A_65 = arith.constant 1.000000e-01 : f32
    %div3A_66 = vector.broadcast %div3A_65 : f32 to vector<1024x1024xf32>
    %div3A_67 = arith.divf %dot_general3A_60, %div3A_66 : vector<1024x1024xf32>
    %exp3A_68 = math.exp %div3A_67 : vector<1024x1024xf32>
    %jit3A = arith.constant 1.000000e+00 : f32
    %broadcast_in_dim3A_69 = vector.broadcast %jit3A : f32 to vector<1024x1024xf32>
    %select_n3A = arith.select %lt3A_64, %exp3A_68, %broadcast_in_dim3A_69 : vector<1024x1024xi1>, vector<1024x1024xf32>
    %reduce_sum3A_70 = arith.constant dense<0.000000e+00> : vector<1024xf32>
    %reduce_sum3A_71 = vector.multi_reduction <add>, %select_n3A, %reduce_sum3A_70 [0] : vector<1024x1024xf32> to vector<1024xf32>
    %broadcast_in_dim3A_72 = vector.shape_cast %reduce_sum3A_71 : vector<1024xf32> to vector<1x1024xf32>
    %add3A = arith.addf %broadcast_in_dim3A_46, %broadcast_in_dim3A_72 : vector<1x1024xf32>
    %div3A_73 = arith.divf %broadcast_in_dim3A_46, %add3A : vector<1x1024xf32>
    %reduce_sum3A_74 = arith.constant dense<0.000000e+00> : vector<1xf32>
    %reduce_sum3A_75 = vector.multi_reduction <add>, %div3A_73, %reduce_sum3A_74 [1] : vector<1x1024xf32> to vector<1xf32>
    %broadcast_in_dim3A_76 = vector.shape_cast %reduce_sum3A_75 : vector<1xf32> to vector<1x1xf32>
    %neg3A = arith.constant 0.000000e+00 : f32
    %neg3A_77 = vector.broadcast %neg3A : f32 to vector<1x1xf32>
    %neg3A_78 = arith.subf %neg3A_77, %broadcast_in_dim3A_76 : vector<1x1xf32>
    %div3A_79 = arith.constant 1.024000e+03 : f32
    %div3A_80 = vector.broadcast %div3A_79 : f32 to vector<1x1xf32>
    %div3A_81 = arith.divf %neg3A_78, %div3A_80 : vector<1x1xf32>
    %swap3A = arith.constant 0 : index
    %swap3A_82 = arith.constant 0 : index
    %swap3A_83 = vector.load %arg5[%swap3A, %swap3A_82] : memref<1x1xf32, #tpu.memory_space<vmem>>, vector<1x1xf32>
    tpu.vector_store %arg5[%swap3A, %swap3A_82], %div3A_81 {strides = array<i32>} : memref<1x1xf32, #tpu.memory_space<vmem>>, vector<1x1xf32>,
    return
  }
}

module attributes {stable_mosaic.version = 14 : i64} {
  func.func @_main_body(%arg0: i32, %arg1: memref<2xf32, #tpu.memory_space<smem>>, %arg2: memref<4000x512xf32, #tpu.memory_space<vmem>>, %arg3: memref<1x1024x512xf32, #tpu.memory_space<vmem>>, %arg4: memref<1024x512xf32, #tpu.memory_space<vmem>>, %arg5: memref<98x1024xf32, #tpu.memory_space<vmem>>, %arg6: memref<98x1024xf32, #tpu.memory_space<vmem>>, %arg7: memref<1x1024xi32, #tpu.memory_space<vmem>>, %arg8: memref<98x64xi32, #tpu.memory_space<vmem>>, %arg9: memref<98x64xi32, #tpu.memory_space<vmem>>, %arg10: memref<1x1xi32, #tpu.memory_space<smem>>, %arg11: memref<1024x512xf32, #tpu.memory_space<vmem>>, %arg12: memref<1x1024xf32, #tpu.memory_space<vmem>>, %arg13: memref<1x1024xi32, #tpu.memory_space<vmem>>) attributes {dimension_semantics = [#tpu.dimension_semantics<arbitrary>], iteration_bounds = array<i64: 25>, scalar_prefetch = 0 : i64, scratch_operands = 3 : i64, tpu.core_type = #tpu.core_type<tc>, window_params = [{transform_indices = @transform_0, window_bounds = array<i64: 2>}, {transform_indices = @transform_1, window_bounds = array<i64: 4000, 512>}, {transform_indices = @transform_2, window_bounds = array<i64: 1, 1024, 512>}, {pipeline_mode = #tpu.pipeline_mode<synchronous>, transform_indices = @transform_3, window_bounds = array<i64: 1024, 512>}, {pipeline_mode = #tpu.pipeline_mode<synchronous>, transform_indices = @transform_4, window_bounds = array<i64: 98, 1024>}, {pipeline_mode = #tpu.pipeline_mode<synchronous>, transform_indices = @transform_5, window_bounds = array<i64: 98, 1024>}, {pipeline_mode = #tpu.pipeline_mode<synchronous>, transform_indices = @transform_6, window_bounds = array<i64: 1, 1024>}, {pipeline_mode = #tpu.pipeline_mode<synchronous>, transform_indices = @transform_7, window_bounds = array<i64: 98, 64>}, {pipeline_mode = #tpu.pipeline_mode<synchronous>, transform_indices = @transform_8, window_bounds = array<i64: 98, 64>}, {transform_indices = @transform_9, window_bounds = array<i64: 1, 1>}]} {
    %eq3A = arith.constant 0 : i32
    %eq3A_0 = arith.cmpi eq, %arg0, %eq3A : i32
    %convert_element_type3A = arith.extui %eq3A_0 : i1 to i32
    %cond3A = arith.constant 0 : i32
    %cond3A_1 = arith.cmpi ne, %convert_element_type3A, %cond3A : i32
    scf.if %cond3A_1 {
      %get3A_31 = arith.constant 0 : index
      %get3A_32 = arith.constant 0 : index
      %get3A_33 = vector.load %arg4[%get3A_31, %get3A_32] : memref<1024x512xf32, #tpu.memory_space<vmem>>, vector<1024x512xf32>
      %mul3A_34 = arith.mulf %get3A_33, %get3A_33 : vector<1024x512xf32>
      %reduce_sum3A = arith.constant dense<0.000000e+00> : vector<1024xf32>
      %reduce_sum3A_35 = vector.multi_reduction <add>, %mul3A_34, %reduce_sum3A [1] : vector<1024x512xf32> to vector<1024xf32>
      %broadcast_in_dim3A_36 = vector.shape_cast %reduce_sum3A_35 : vector<1024xf32> to vector<1024x1xf32>
      %sqrt3A = math.sqrt %broadcast_in_dim3A_36 : vector<1024x1xf32>
      %max3A = arith.constant 9.99999996E-13 : f32
      %max3A_37 = vector.broadcast %max3A : f32 to vector<1024x1xf32>
      %max3A_38 = arith.maximumf %sqrt3A, %max3A_37 : vector<1024x1xf32>
      %div3A = vector.broadcast %max3A_38 : vector<1024x1xf32> to vector<1024x512xf32>
      %div3A_39 = arith.divf %get3A_33, %div3A : vector<1024x512xf32>
      %get3A_40 = arith.constant 0 : index
      %get3A_41 = arith.constant 0 : index
      %get3A_42 = arith.constant 0 : index
      %get3A_43 = vector.load %arg3[%get3A_40, %get3A_41, %get3A_42] : memref<1x1024x512xf32, #tpu.memory_space<vmem>>, vector<1x1024x512xf32>
      %get3A_44 = vector.shape_cast %get3A_43 : vector<1x1024x512xf32> to vector<1024x512xf32>
      %mul3A_45 = arith.mulf %get3A_44, %div3A_39 : vector<1024x512xf32>
      %mul3A_46 = arith.mulf %mul3A_45, %mul3A_45 : vector<1024x512xf32>
      %reduce_sum3A_47 = arith.constant dense<0.000000e+00> : vector<1024xf32>
      %reduce_sum3A_48 = vector.multi_reduction <add>, %mul3A_46, %reduce_sum3A_47 [1] : vector<1024x512xf32> to vector<1024xf32>
      %broadcast_in_dim3A_49 = vector.shape_cast %reduce_sum3A_48 : vector<1024xf32> to vector<1024x1xf32>
      %sqrt3A_50 = math.sqrt %broadcast_in_dim3A_49 : vector<1024x1xf32>
      %max3A_51 = arith.constant 9.99999996E-13 : f32
      %max3A_52 = vector.broadcast %max3A_51 : f32 to vector<1024x1xf32>
      %max3A_53 = arith.maximumf %sqrt3A_50, %max3A_52 : vector<1024x1xf32>
      %div3A_54 = vector.broadcast %max3A_53 : vector<1024x1xf32> to vector<1024x512xf32>
      %div3A_55 = arith.divf %mul3A_45, %div3A_54 : vector<1024x512xf32>
      %swap3A_56 = arith.constant 0 : index
      %swap3A_57 = arith.constant 0 : index
      %swap3A_58 = vector.load %arg11[%swap3A_56, %swap3A_57] : memref<1024x512xf32, #tpu.memory_space<vmem>>, vector<1024x512xf32>
      tpu.vector_store %arg11[%swap3A_56, %swap3A_57], %div3A_55 {strides = array<i32>} : memref<1024x512xf32, #tpu.memory_space<vmem>>, vector<1024x512xf32>,
      %get3A_59 = arith.constant 0 : index
      %get3A_60 = memref.load %arg1[%get3A_59] : memref<2xf32, #tpu.memory_space<smem>>
      %mul3A_61 = arith.constant 0.0174532924 : f32
      %mul3A_62 = arith.mulf %get3A_60, %mul3A_61 : f32
      %get3A_63 = arith.constant 1 : index
      %get3A_64 = memref.load %arg1[%get3A_63] : memref<2xf32, #tpu.memory_space<smem>>
      %mul3A_65 = arith.constant 0.0174532924 : f32
      %mul3A_66 = arith.mulf %get3A_64, %mul3A_65 : f32
      %get3A_67 = arith.constant 0 : index
      %get3A_68 = arith.constant 0 : index
      %get3A_69 = vector.load %arg5[%get3A_67, %get3A_68] : memref<98x1024xf32, #tpu.memory_space<vmem>>, vector<98x1024xf32>
      %mul3A_70 = arith.constant 0.0174532924 : f32
      %mul3A_71 = vector.broadcast %mul3A_70 : f32 to vector<98x1024xf32>
      %mul3A_72 = arith.mulf %get3A_69, %mul3A_71 : vector<98x1024xf32>
      %get3A_73 = arith.constant 0 : index
      %get3A_74 = arith.constant 0 : index
      %get3A_75 = vector.load %arg6[%get3A_73, %get3A_74] : memref<98x1024xf32, #tpu.memory_space<vmem>>, vector<98x1024xf32>
      %mul3A_76 = arith.constant 0.0174532924 : f32
      %mul3A_77 = vector.broadcast %mul3A_76 : f32 to vector<98x1024xf32>
      %mul3A_78 = arith.mulf %get3A_75, %mul3A_77 : vector<98x1024xf32>
      %sub3A = vector.broadcast %mul3A_62 : f32 to vector<98x1024xf32>
      %sub3A_79 = arith.subf %mul3A_72, %sub3A : vector<98x1024xf32>
      %mul3A_80 = arith.constant 5.000000e-01 : f32
      %mul3A_81 = vector.broadcast %mul3A_80 : f32 to vector<98x1024xf32>
      %mul3A_82 = arith.mulf %sub3A_79, %mul3A_81 : vector<98x1024xf32>
      %sin3A = math.sin %mul3A_82 : vector<98x1024xf32>
      %sub3A_83 = vector.broadcast %mul3A_66 : f32 to vector<98x1024xf32>
      %sub3A_84 = arith.subf %mul3A_78, %sub3A_83 : vector<98x1024xf32>
      %mul3A_85 = arith.constant 5.000000e-01 : f32
      %mul3A_86 = vector.broadcast %mul3A_85 : f32 to vector<98x1024xf32>
      %mul3A_87 = arith.mulf %sub3A_84, %mul3A_86 : vector<98x1024xf32>
      %sin3A_88 = math.sin %mul3A_87 : vector<98x1024xf32>
      %mul3A_89 = arith.mulf %sin3A, %sin3A : vector<98x1024xf32>
      %cos3A = math.cos %mul3A_62 : f32
      %cos3A_90 = math.cos %mul3A_72 : vector<98x1024xf32>
      %mul3A_91 = vector.broadcast %cos3A : f32 to vector<98x1024xf32>
      %mul3A_92 = arith.mulf %mul3A_91, %cos3A_90 : vector<98x1024xf32>
      %mul3A_93 = arith.mulf %mul3A_92, %sin3A_88 : vector<98x1024xf32>
      %mul3A_94 = arith.mulf %mul3A_93, %sin3A_88 : vector<98x1024xf32>
      %add3A_95 = arith.addf %mul3A_89, %mul3A_94 : vector<98x1024xf32>
      %jit3A = arith.constant 0.000000e+00 : f32
      %jit3A_96 = arith.constant 1.000000e+00 : f32
      %max3A_97 = vector.broadcast %jit3A : f32 to vector<98x1024xf32>
      %max3A_98 = arith.maximumf %max3A_97, %add3A_95 : vector<98x1024xf32>
      %min3A = vector.broadcast %jit3A_96 : f32 to vector<98x1024xf32>
      %min3A_99 = arith.minimumf %min3A, %max3A_98 : vector<98x1024xf32>
      %iota3A = tpu.iota {dimensions = array<i32: 0>} : vector<98x1024xi32>
      %iota3A_100 = tpu.iota {dimensions = array<i32: 1>} : vector<98x1024xi32>
      %mul3A_101 = arith.constant 1024 : i32
      %mul3A_102 = vector.broadcast %mul3A_101 : i32 to vector<98x1024xi32>
      %mul3A_103 = arith.muli %iota3A, %mul3A_102 : vector<98x1024xi32>
      %add3A_104 = arith.addi %mul3A_103, %iota3A_100 : vector<98x1024xi32>
      %lt3A = arith.constant 100000 : i32
      %lt3A_105 = vector.broadcast %lt3A : i32 to vector<98x1024xi32>
      %lt3A_106 = arith.cmpi slt, %add3A_104, %lt3A_105 : vector<98x1024xi32>
      %gt3A_107 = arith.constant 3.84949954E-6 : f32
      %gt3A_108 = vector.broadcast %gt3A_107 : f32 to vector<98x1024xf32>
      %gt3A_109 = arith.cmpf ogt, %min3A_99, %gt3A_108 : vector<98x1024xf32>
      %and3A = arith.andi %gt3A_109, %lt3A_106 : vector<98x1024xi1>
      %convert_element_type3A_110 = arith.extui %and3A : vector<98x1024xi1> to vector<98x1024xi32>
      %convert_element_type3A_111 = arith.sitofp %convert_element_type3A_110 : vector<98x1024xi32> to vector<98x1024xf32>
      %iota3A_112 = tpu.iota {dimensions = array<i32: 0>} : vector<1024x1024xi32>
      %iota3A_113 = tpu.iota {dimensions = array<i32: 1>} : vector<1024x1024xi32>
      %lt3A_114 = arith.cmpi slt, %iota3A_112, %iota3A_113 : vector<1024x1024xi32>
      %convert_element_type3A_115 = arith.extui %lt3A_114 : vector<1024x1024xi1> to vector<1024x1024xi32>
      %convert_element_type3A_116 = arith.sitofp %convert_element_type3A_115 : vector<1024x1024xi32> to vector<1024x1024xf32>
      %dot_general3A_117 = arith.constant dense<0.000000e+00> : vector<98x1024xf32>
      %dot_general3A_118 = tpu.matmul %convert_element_type3A_111, %convert_element_type3A_116, %dot_general3A_117 {dimension_numbers = #tpu.dot_dimension_numbers<[1], [0], [0], [1], [0, 0, 1, 1], [], []>, transpose_lhs_hint = false} : vector<98x1024xf32>, vector<1024x1024xf32>, vector<98x1024xf32> -> vector<98x1024xf32>
      %broadcast_in_dim3A_119 = arith.constant 1.000000e+00 : f32
      %broadcast_in_dim3A_120 = vector.broadcast %broadcast_in_dim3A_119 : f32 to vector<1024x1xf32>
      %dot_general3A_121 = arith.constant dense<0.000000e+00> : vector<98x1xf32>
      %dot_general3A_122 = tpu.matmul %convert_element_type3A_111, %broadcast_in_dim3A_120, %dot_general3A_121 {dimension_numbers = #tpu.dot_dimension_numbers<[1], [0], [0], [1], [0, 0, 1, 1], [], []>, transpose_lhs_hint = false} : vector<98x1024xf32>, vector<1024x1xf32>, vector<98x1xf32> -> vector<98x1xf32>
      %iota3A_123 = tpu.iota {dimensions = array<i32: 0>} : vector<98x98xi32>
      %iota3A_124 = tpu.iota {dimensions = array<i32: 1>} : vector<98x98xi32>
      %lt3A_125 = arith.cmpi slt, %iota3A_124, %iota3A_123 : vector<98x98xi32>
      %convert_element_type3A_126 = arith.extui %lt3A_125 : vector<98x98xi1> to vector<98x98xi32>
      %convert_element_type3A_127 = arith.sitofp %convert_element_type3A_126 : vector<98x98xi32> to vector<98x98xf32>
      %dot_general3A_128 = arith.constant dense<0.000000e+00> : vector<98x1xf32>
      %dot_general3A_129 = tpu.matmul %convert_element_type3A_127, %dot_general3A_122, %dot_general3A_128 {dimension_numbers = #tpu.dot_dimension_numbers<[1], [0], [0], [1], [0, 0, 1, 1], [], []>, transpose_lhs_hint = false} : vector<98x98xf32>, vector<98x1xf32>, vector<98x1xf32> -> vector<98x1xf32>
      %add3A_130 = vector.broadcast %dot_general3A_129 : vector<98x1xf32> to vector<98x1024xf32>
      %add3A_131 = arith.addf %dot_general3A_118, %add3A_130 : vector<98x1024xf32>
      %mul3A_132 = arith.constant 2.000000e+00 : f32
      %mul3A_133 = vector.broadcast %mul3A_132 : f32 to vector<98x1024xf32>
      %mul3A_134 = arith.mulf %add3A_131, %mul3A_133 : vector<98x1024xf32>
      %add3A_135 = arith.addf %mul3A_134, %convert_element_type3A_111 : vector<98x1024xf32>
      %iota3A_136 = tpu.iota {dimensions = array<i32: 0>} : vector<1024x64xi32>
      %iota3A_137 = tpu.iota {dimensions = array<i32: 1>} : vector<1024x64xi32>
      %mul3A_138 = arith.constant 16 : i32
      %mul3A_139 = vector.broadcast %mul3A_138 : i32 to vector<1024x64xi32>
      %mul3A_140 = arith.muli %iota3A_137, %mul3A_139 : vector<1024x64xi32>
      %eq3A_141 = arith.cmpi eq, %iota3A_136, %mul3A_140 : vector<1024x64xi32>
      %convert_element_type3A_142 = arith.extui %eq3A_141 : vector<1024x64xi1> to vector<1024x64xi32>
      %convert_element_type3A_143 = arith.sitofp %convert_element_type3A_142 : vector<1024x64xi32> to vector<1024x64xf32>
      %dot_general3A_144 = arith.constant dense<0.000000e+00> : vector<98x64xf32>
      %dot_general3A_145 = tpu.matmul %add3A_135, %convert_element_type3A_143, %dot_general3A_144 {dimension_numbers = #tpu.dot_dimension_numbers<[1], [0], [0], [1], [0, 0, 1, 1], [], []>, transpose_lhs_hint = false} : vector<98x1024xf32>, vector<1024x64xf32>, vector<98x64xf32> -> vector<98x64xf32>
      %convert_element_type3A_146 = arith.fptosi %dot_general3A_145 : vector<98x64xf32> to vector<98x64xi32>
      %swap3A_147 = arith.constant 0 : index
      %swap3A_148 = arith.constant 0 : index
      %swap3A_149 = vector.load %arg8[%swap3A_147, %swap3A_148] : memref<98x64xi32, #tpu.memory_space<vmem>>, vector<98x64xi32>
      tpu.vector_store %arg8[%swap3A_147, %swap3A_148], %convert_element_type3A_146 {strides = array<i32>} : memref<98x64xi32, #tpu.memory_space<vmem>>, vector<98x64xi32>,
      %shift_right_arithmetic3A = arith.constant 4 : i32
      %shift_right_arithmetic3A_150 = vector.broadcast %shift_right_arithmetic3A : i32 to vector<1024x64xi32>
      %shift_right_arithmetic3A_151 = arith.shrsi %iota3A_136, %shift_right_arithmetic3A_150 : vector<1024x64xi32>
      %eq3A_152 = arith.cmpi eq, %shift_right_arithmetic3A_151, %iota3A_137 : vector<1024x64xi32>
      %and3A_153 = arith.constant 15 : i32
      %and3A_154 = vector.broadcast %and3A_153 : i32 to vector<1024x64xi32>
      %and3A_155 = arith.andi %iota3A_136, %and3A_154 : vector<1024x64xi32>
      %shift_left3A = arith.constant 1 : i32
      %shift_left3A_156 = vector.broadcast %shift_left3A : i32 to vector<1024x64xi32>
      %shift_left3A_157 = arith.shli %shift_left3A_156, %and3A_155 : vector<1024x64xi32>
      %jit3A_158 = arith.constant 0 : i32
      %broadcast_in_dim3A_159 = vector.broadcast %jit3A_158 : i32 to vector<1024x64xi32>
      %select_n3A_160 = arith.select %eq3A_152, %shift_left3A_157, %broadcast_in_dim3A_159 : vector<1024x64xi1>, vector<1024x64xi32>
      %convert_element_type3A_161 = arith.sitofp %select_n3A_160 : vector<1024x64xi32> to vector<1024x64xf32>
      %dot_general3A_162 = arith.constant dense<0.000000e+00> : vector<98x64xf32>
      %dot_general3A_163 = tpu.matmul %convert_element_type3A_111, %convert_element_type3A_161, %dot_general3A_162 {dimension_numbers = #tpu.dot_dimension_numbers<[1], [0], [0], [1], [0, 0, 1, 1], [], []>, transpose_lhs_hint = false} : vector<98x1024xf32>, vector<1024x64xf32>, vector<98x64xf32> -> vector<98x64xf32>
      %convert_element_type3A_164 = arith.fptosi %dot_general3A_163 : vector<98x64xf32> to vector<98x64xi32>
      %swap3A_165 = arith.constant 0 : index
      %swap3A_166 = arith.constant 0 : index
      %swap3A_167 = vector.load %arg9[%swap3A_165, %swap3A_166] : memref<98x64xi32, #tpu.memory_space<vmem>>, vector<98x64xi32>
      tpu.vector_store %arg9[%swap3A_165, %swap3A_166], %convert_element_type3A_164 {strides = array<i32>} : memref<98x64xi32, #tpu.memory_space<vmem>>, vector<98x64xi32>,
      %reduce_sum3A_168 = vector.shape_cast %convert_element_type3A_111 : vector<98x1024xf32> to vector<1x98x1024xf32>
      %reduce_sum3A_169 = arith.constant dense<0.000000e+00> : vector<1xf32>
      %reduce_sum3A_170 = vector.multi_reduction <add>, %reduce_sum3A_168, %reduce_sum3A_169 [1, 2] : vector<1x98x1024xf32> to vector<1xf32>
      %reduce_sum3A_171 = vector.shape_cast %reduce_sum3A_170 : vector<1xf32> to vector<1x1x1xf32>
      %reduce_sum3A_172 = vector.extract %reduce_sum3A_171[0, 0, 0] : f32 from vector<1x1x1xf32>
      %convert_element_type3A_173 = arith.fptosi %reduce_sum3A_172 : f32 to i32
      %min3A_174 = arith.constant 1024 : i32
      %min3A_175 = arith.minsi %convert_element_type3A_173, %min3A_174 : i32
      %swap3A_176 = arith.constant 0 : index
      %swap3A_177 = arith.constant 0 : index
      %swap3A_178 = memref.load %arg10[%swap3A_176, %swap3A_177] : memref<1x1xi32, #tpu.memory_space<smem>>
      memref.store %min3A_175, %arg10[%swap3A_176, %swap3A_177] : memref<1x1xi32, #tpu.memory_space<smem>>
      %broadcast_in_dim3A_179 = arith.constant 0xFF800000 : f32
      %broadcast_in_dim3A_180 = vector.broadcast %broadcast_in_dim3A_179 : f32 to vector<1x1024xf32>
      %swap3A_181 = arith.constant 0 : index
      %swap3A_182 = arith.constant 0 : index
      %swap3A_183 = vector.load %arg12[%swap3A_181, %swap3A_182] : memref<1x1024xf32, #tpu.memory_space<vmem>>, vector<1x1024xf32>
      tpu.vector_store %arg12[%swap3A_181, %swap3A_182], %broadcast_in_dim3A_180 {strides = array<i32>} : memref<1x1024xf32, #tpu.memory_space<vmem>>, vector<1x1024xf32>,
      %broadcast_in_dim3A_184 = arith.constant 0 : i32
      %broadcast_in_dim3A_185 = vector.broadcast %broadcast_in_dim3A_184 : i32 to vector<1x1024xi32>
      %swap3A_186 = arith.constant 0 : index
      %swap3A_187 = arith.constant 0 : index
      %swap3A_188 = vector.load %arg13[%swap3A_186, %swap3A_187] : memref<1x1024xi32, #tpu.memory_space<vmem>>, vector<1x1024xi32>
      tpu.vector_store %arg13[%swap3A_186, %swap3A_187], %broadcast_in_dim3A_185 {strides = array<i32>} : memref<1x1024xi32, #tpu.memory_space<vmem>>, vector<1x1024xi32>,
    } else {
    }
    %get3A = arith.constant 0 : index
    %get3A_2 = arith.constant 0 : index
    %get3A_3 = vector.load %arg2[%get3A, %get3A_2] : memref<4000x512xf32, #tpu.memory_space<vmem>>, vector<4000x512xf32>
    %get3A_4 = arith.constant 0 : index
    %get3A_5 = arith.constant 0 : index
    %get3A_6 = vector.load %arg11[%get3A_4, %get3A_5] : memref<1024x512xf32, #tpu.memory_space<vmem>>, vector<1024x512xf32>
    %dot_general3A = arith.constant dense<0.000000e+00> : vector<4000x1024xf32>
    %dot_general3A_7 = tpu.matmul %get3A_3, %get3A_6, %dot_general3A {dimension_numbers = #tpu.dot_dimension_numbers<[1], [1], [0], [0], [0, 0, 1, 0], [], []>, transpose_lhs_hint = false} : vector<4000x512xf32>, vector<1024x512xf32>, vector<4000x1024xf32> -> vector<4000x1024xf32>
    %reduce_max3A = arith.constant dense<0xFF800000> : vector<1024xf32>
    %reduce_max3A_8 = vector.multi_reduction <maximumf>, %dot_general3A_7, %reduce_max3A [0] : vector<4000x1024xf32> to vector<1024xf32>
    %broadcast_in_dim3A = vector.shape_cast %reduce_max3A_8 : vector<1024xf32> to vector<1x1024xf32>
    %argmax3A = tpu.reduce_index %dot_general3A_7 {axis = 0 : i32, kind = #tpu.reduction_kind<arg_max>} : vector<4000x1024xf32> -> vector<1024xi32>
    %reshape3A = vector.shape_cast %argmax3A : vector<1024xi32> to vector<1x1024xi32>
    %get3A_9 = arith.constant 0 : index
    %get3A_10 = arith.constant 0 : index
    %get3A_11 = vector.load %arg12[%get3A_9, %get3A_10] : memref<1x1024xf32, #tpu.memory_space<vmem>>, vector<1x1024xf32>
    %gt3A = arith.cmpf ogt, %broadcast_in_dim3A, %get3A_11 : vector<1x1024xf32>
    %mul3A = arith.constant 4000 : i32
    %mul3A_12 = arith.muli %arg0, %mul3A : i32
    %add3A = vector.broadcast %mul3A_12 : i32 to vector<1x1024xi32>
    %add3A_13 = arith.addi %add3A, %reshape3A : vector<1x1024xi32>
    %get3A_14 = arith.constant 0 : index
    %get3A_15 = arith.constant 0 : index
    %get3A_16 = vector.load %arg13[%get3A_14, %get3A_15] : memref<1x1024xi32, #tpu.memory_space<vmem>>, vector<1x1024xi32>
    %select_n3A = arith.select %gt3A, %add3A_13, %get3A_16 : vector<1x1024xi1>, vector<1x1024xi32>
    %swap3A = arith.constant 0 : index
    %swap3A_17 = arith.constant 0 : index
    %swap3A_18 = vector.load %arg13[%swap3A, %swap3A_17] : memref<1x1024xi32, #tpu.memory_space<vmem>>, vector<1x1024xi32>
    tpu.vector_store %arg13[%swap3A, %swap3A_17], %select_n3A {strides = array<i32>} : memref<1x1024xi32, #tpu.memory_space<vmem>>, vector<1x1024xi32>,
    %get3A_19 = arith.constant 0 : index
    %get3A_20 = arith.constant 0 : index
    %get3A_21 = vector.load %arg12[%get3A_19, %get3A_20] : memref<1x1024xf32, #tpu.memory_space<vmem>>, vector<1x1024xf32>
    %select_n3A_22 = arith.select %gt3A, %broadcast_in_dim3A, %get3A_21 : vector<1x1024xi1>, vector<1x1024xf32>
    %swap3A_23 = arith.constant 0 : index
    %swap3A_24 = arith.constant 0 : index
    %swap3A_25 = vector.load %arg12[%swap3A_23, %swap3A_24] : memref<1x1024xf32, #tpu.memory_space<vmem>>, vector<1x1024xf32>
    tpu.vector_store %arg12[%swap3A_23, %swap3A_24], %select_n3A_22 {strides = array<i32>} : memref<1x1024xf32, #tpu.memory_space<vmem>>, vector<1x1024xf32>,
    %eq3A_26 = arith.constant 24 : i32
    %eq3A_27 = arith.cmpi eq, %arg0, %eq3A_26 : i32
    %convert_element_type3A_28 = arith.extui %eq3A_27 : i1 to i32
    %cond3A_29 = arith.constant 0 : i32
    %cond3A_30 = arith.cmpi ne, %convert_element_type3A_28, %cond3A_29 : i32
    scf.if %cond3A_30 {
      %get3A_31 = arith.constant 0 : index
      %get3A_32 = arith.constant 0 : index
      %get3A_33 = vector.load %arg13[%get3A_31, %get3A_32] : memref<1x1024xi32, #tpu.memory_space<vmem>>, vector<1x1024xi32>
      %swap3A_34 = arith.constant 0 : index
      %swap3A_35 = arith.constant 0 : index
      %swap3A_36 = vector.load %arg7[%swap3A_34, %swap3A_35] : memref<1x1024xi32, #tpu.memory_space<vmem>>, vector<1x1024xi32>
      tpu.vector_store %arg7[%swap3A_34, %swap3A_35], %get3A_33 {strides = array<i32>} : memref<1x1024xi32, #tpu.memory_space<vmem>>, vector<1x1024xi32>,
    } else {
    }
    return
  }
  func.func @transform_0(%arg0: i32) -> i32 {
    %c0_i32 = arith.constant 0 : i32
    %c0_i32_0 = arith.constant 0 : i32
    return %c0_i32 : i32
  }
  func.func @transform_1(%arg0: i32) -> (i32, i32) {
    %c0_i32 = arith.constant 0 : i32
    %c0_i32_0 = arith.constant 0 : i32
    return %arg0, %c0_i32 : i32, i32
  }
  func.func @transform_2(%arg0: i32) -> (i32, i32, i32) {
    %c0_i32 = arith.constant 0 : i32
    %c0_i32_0 = arith.constant 0 : i32
    %c0_i32_1 = arith.constant 0 : i32
    %c0_i32_2 = arith.constant 0 : i32
    return %c0_i32, %c0_i32_0, %c0_i32_1 : i32, i32, i32
  }
  func.func @transform_3(%arg0: i32) -> (i32, i32) {
    %c0_i32 = arith.constant 0 : i32
    %c0_i32_0 = arith.constant 0 : i32
    %c0_i32_1 = arith.constant 0 : i32
    return %c0_i32, %c0_i32_0 : i32, i32
  }
  func.func @transform_4(%arg0: i32) -> (i32, i32) {
    %c0_i32 = arith.constant 0 : i32
    %c0_i32_0 = arith.constant 0 : i32
    %c0_i32_1 = arith.constant 0 : i32
    return %c0_i32, %c0_i32_0 : i32, i32
  }
  func.func @transform_5(%arg0: i32) -> (i32, i32) {
    %c0_i32 = arith.constant 0 : i32
    %c0_i32_0 = arith.constant 0 : i32
    %c0_i32_1 = arith.constant 0 : i32
    return %c0_i32, %c0_i32_0 : i32, i32
  }
  func.func @transform_6(%arg0: i32) -> (i32, i32) {
    %c0_i32 = arith.constant 0 : i32
    %c0_i32_0 = arith.constant 0 : i32
    %c0_i32_1 = arith.constant 0 : i32
    return %c0_i32, %c0_i32_0 : i32, i32
  }
  func.func @transform_7(%arg0: i32) -> (i32, i32) {
    %c0_i32 = arith.constant 0 : i32
    %c0_i32_0 = arith.constant 0 : i32
    %c0_i32_1 = arith.constant 0 : i32
    return %c0_i32, %c0_i32_0 : i32, i32
  }
  func.func @transform_8(%arg0: i32) -> (i32, i32) {
    %c0_i32 = arith.constant 0 : i32
    %c0_i32_0 = arith.constant 0 : i32
    %c0_i32_1 = arith.constant 0 : i32
    return %c0_i32, %c0_i32_0 : i32, i32
  }
  func.func @transform_9(%arg0: i32) -> (i32, i32) {
    %c0_i32 = arith.constant 0 : i32
    %c0_i32_0 = arith.constant 0 : i32
    %c0_i32_1 = arith.constant 0 : i32
    return %c0_i32, %c0_i32_0 : i32, i32
  }
}

</mosaic_0001>

<sc_bundles>
// kernel: kernel.5.cloned.1.call-start
scs
__scs_entry_jumppad:
0x0: {  	(pc) =	sbr.rel $0x88, $3  }
0x1: {  	(tag) =	ssettag $0x0;
	lr =	simm.s32 $0x1  }
0x2: {  	[smem:$0x3F9C] =	sst lr;
	_ =	strace $0xD0000000  }
0x3: {  	_ = 	snop  }
0x4: {  	_ = 	snop  }
0x5: {  	_ = 	snop  }
0x6: {  	_ = 	snop  }
0x7: {  	_ = 	snop  }
__scs_overlays_trampoline_lowered:
0x8: {  	[smem:$0x3FAB] =	sst s0  }
0x9: {  	[smem:$0x3FAC] =	sst s1  }
0xa: {  	[smem:$0x3FAD] =	sst s2  }
0xb: {  	[smem:$0x3FAE] =	sst s3  }
0xc: {  	[smem:$0x3FAF] =	sst s4  }
0xd: {  	[smem:$0x3FB0] =	sst s5  }
0xe: {  	[smem:$0x3FB1] =	sst s6  }
0xf: {  	[smem:$0x3FB2] =	sst s7  }
0x10: {  	[smem:$0x3FB3] =	sst s8  }
0x11: {  	[smem:$0x3FB4] =	sst s9;
	s0 =	simm.s32 @!p0 $0x0  }
0x12: {  	s1 =	sld [smem:$0x3F9A];
	s0 =	simm.s32 @p0 $0x1  }
0x13: {  	[smem:$0x3FB5] =	sst s0;
	s0 =	simm.s32 @!p1 $0x0  }
0x14: {  	s2 =	sld [smem:$0x3F99];
	s0 =	simm.s32 @p1 $0x1  }
0x15: {  	[smem:$0x3FB6] =	sst s0;
	s0 =	simm.s32 @!p2 $0x0  }
0x16: {  	s3 =	sld [smem:$0x3FDB];
	s0 =	simm.s32 @p2 $0x1  }
0x17: {  	s4 =	simm.s32 $0x1BF5;
	[smem:$0x3FB8] =	sst s0  }
0x18: {  	s0 =	sld [smem:$0x3F9B];
	_ =	swait.ge [sflag:s4], $0x0  }
0x19: {  	s7 =	sld [smem:$0x3F9C]  }
0x1a: {  	s8 =	sadd.s32 $0xFFFFE003, lr  }
0x1b: {  	s9 =	sadd.s32 $0xFFFFFEF7, lr;
	s5 =	simm.s32 $0xFFFFFFFF;
	p2 =	slt.u32 s8, $0xFFFFF086  }
0x1c: {  	p1 =	slt.u32 s9, $0xF7A;
	s5 =	simm.s32 @!p2 $0x0  }
0x1d: {  	s5 =	simm.s32 @p1 $0x1;
	p0 =	seq.s32 s7, s2  }
0x1e: {  	s7 =	smul.u32 @!p0 $0xF7A, s2;
	p2 =	seq.s32 @!p0 s5, $0x0  }
0x1f: {  	s9 =	smul.u32 $0xF7A, s1;
	s8 =	simm.s32 @!p0 $0x1BF5;
	p2 =	por !p2, p0  }
0x20: {  	[sflag:s8] =	ssyncset.s32 @!p0 $0xFFFFF086;
	s6 =	sadd.s32 @!p0 s3, s7;
	s7 =	simm.s32 @!p0 $0x108  }
0x21: {  	s3 =	sadd.s32 s3, s9;
	s6 =	sadd.s32 @!p0 $0x88, s6;
	s7 =	simm.s32 @p2 $0x1082  }
0x22: {  	[simem:s7], [sflag:s8] =	dma.local @!p0 [hbm:s6], $0xF7A  }
0x23: {  	s9 =	sor.u32 $0xD0000000, s2;
	s6 =	simm.s32 $0x108;
	_ =	swait.ge @!p0 [sflag:s8], $0x0  }
0x24: {  	s3 =	sadd.s32 $0x88, s3;
	s6 =	simm.s32 @!p1 $0x1082;
	[sflag:s4] =	ssyncset.s32 $0xFFFFF086  }
0x25: {  	[simem:s6], [sflag:s4] =	dma.local [hbm:s3], $0xF7A  }
0x26: {  	[smem:$0x3F9C] =	sst s1;
	(tag) =	ssettag s2;
	_ =	strace s9  }
0x27: {  	s1 =	sld [smem:$0x3FAC]  }
0x28: {  	s2 =	sld [smem:$0x3FAD]  }
0x29: {  	s4 =	sld [smem:$0x3FAF]  }
0x2a: {  	p0 =	seq.s32 s5, $0x0;
	s5 =	sld [smem:$0x3FB0]  }
0x2b: {  	s6 =	sld [smem:$0x3FB1]  }
0x2c: {  	s7 =	sld [smem:$0x3FB2]  }
0x2d: {  	s3 =	simm.s32 $0x108;
	s8 =	sld [smem:$0x3FB3]  }
0x2e: {  	s3 =	simm.s32 @!p0 $0x1082;
	s9 =	sld [smem:$0x3FB4]  }
0x2f: {  	lr =	sadd.s32 s0, s3;
	s0 =	sld [smem:$0x3FAB]  }
0x30: {  	s3 =	sld [smem:$0x3FAE]  }
0x31: {  	[smem:$0x3FB7] =	sst s10  }
0x32: {  	s10 =	sld [smem:$0x3FB5];
	_ =	sdelay $0x3  }
0x33: {  	p0 =	seq.s32 s10, $0x1;
	s10 =	sld [smem:$0x3FB7];
	_ =	sdelay $0x3  }
0x34: {  	[smem:$0x3FB7] =	sst s10  }
0x35: {  	s10 =	sld [smem:$0x3FB6];
	_ =	sdelay $0x3  }
0x36: {  	p1 =	seq.s32 s10, $0x1;
	s10 =	sld [smem:$0x3FB7];
	_ =	sdelay $0x3  }
0x37: {  	[smem:$0x3FB7] =	sst s10  }
0x38: {  	s10 =	sld [smem:$0x3FB8]  }
0x39: {  	_ = 	snop;
	(pc) =	sbr.ind lr, $3  }
0x3a: {  	_ = 	snop  }
0x3b: {  	_ = 	snop  }
0x3c: {  	p2 =	seq.s32 s10, $0x1;
	s10 =	sld [smem:$0x3FB7]  }
0x3d: {  	_ =	shalt  }
0x3e: {  	_ =	shalt  }
0x3f: {  	_ =	shalt  }
0x40: {  	_ =	shalt  }
0x41: {  	_ =	shalt  }
0x42: {  	_ =	shalt  }
0x43: {  	_ =	shalt  }
0x44: {  	_ =	shalt  }
0x45: {  	_ =	shalt  }
0x46: {  	_ =	shalt  }
0x47: {  	_ =	shalt  }
0x48: {  	_ =	shalt  }
0x49: {  	_ =	shalt  }
0x4a: {  	_ =	shalt  }
0x4b: {  	_ =	shalt  }
0x4c: {  	_ =	shalt  }
0x4d: {  	_ =	shalt  }
0x4e: {  	_ =	shalt  }
0x4f: {  	_ =	shalt  }
0x50: {  	_ =	shalt  }
0x51: {  	_ =	shalt  }
0x52: {  	_ =	shalt  }
0x53: {  	_ =	shalt  }
0x54: {  	_ =	shalt  }
0x55: {  	_ =	shalt  }
0x56: {  	_ =	shalt  }
0x57: {  	_ =	shalt  }
0x58: {  	_ =	shalt  }
0x59: {  	_ =	shalt  }
0x5a: {  	_ =	shalt  }
0x5b: {  	_ =	shalt  }
0x5c: {  	_ =	shalt  }
0x5d: {  	_ =	shalt  }
0x5e: {  	_ =	shalt  }
0x5f: {  	_ =	shalt  }
0x60: {  	_ =	shalt  }
0x61: {  	_ =	shalt  }
0x62: {  	_ =	shalt  }
0x63: {  	_ =	shalt  }
0x64: {  	_ =	shalt  }
0x65: {  	_ =	shalt  }
0x66: {  	_ =	shalt  }
0x67: {  	_ =	shalt  }
0x68: {  	_ =	shalt  }
0x69: {  	_ =	shalt  }
0x6a: {  	_ =	shalt  }
0x6b: {  	_ =	shalt  }
0x6c: {  	_ =	shalt  }
0x6d: {  	_ =	shalt  }
0x6e: {  	_ =	shalt  }
0x6f: {  	_ =	shalt  }
0x70: {  	_ =	shalt  }
0x71: {  	_ =	shalt  }
0x72: {  	_ =	shalt  }
0x73: {  	_ =	shalt  }
0x74: {  	_ =	shalt  }
0x75: {  	_ =	shalt  }
0x76: {  	_ =	shalt  }
0x77: {  	_ =	shalt  }
0x78: {  	_ =	shalt  }
0x79: {  	_ =	shalt  }
0x7a: {  	_ =	shalt  }
0x7b: {  	_ =	shalt  }
0x7c: {  	_ =	shalt  }
0x7d: {  	_ =	shalt  }
0x7e: {  	_ =	shalt  }
0x7f: {  	_ =	shalt  }
0x80: {  	_ =	shalt  }
0x81: {  	_ =	shalt  }
0x82: {  	_ =	shalt  }
0x83: {  	_ =	shalt  }
0x84: {  	_ =	shalt  }
0x85: {  	_ =	shalt  }
0x86: {  	_ =	shalt  }
0x87: {  	_ =	shalt  }
.Lfunc_end0:
.L_simem_size_0:
called_computation_lowered:
.L_overlay_start_0:
0x88: {  	s2 =	sld [smem:$0x3FD9]  }
0x89: {  	s3 =	sld [smem:$0x3FFE];
	_ =	sdelay $0x1  }
0x8a: {  	s1 =	srdreg.scid  }
0x8b: {  	s0 =	sand.u32 $0x1, s1  }
0x8c: {  	s17 =	sshll.u32 s0, $0xA;
	s2 =	sadd.s32 s3, s2  }
0x8d: {  	s2 =	sadd.s32 s2, s17  }
0x8e: {  	[smem:$0x3FC3] =	sst s2  }
0x8f: {  	_ = 	snop  }
0x90: {  	s2 =	sld [smem:$0x3FC6];
	(tm) =	ssettm $0x1  }
0x91: {  	s18 =	sld [smem:$0x3FFB];
	_ =	sdelay $0x3  }
0x92: {  	_ =	strace s18  }
0x93: {  	s3 =	sld [smem:$0x3FFC];
	_ =	sdelay $0x3  }
0x94: {  	_ =	strace s3  }
0x95: {  	s3 =	sld [smem:$0x3FFD];
	_ =	sdelay $0x3  }
0x96: {  	_ =	strace s3  }
0x97: {  	_ =	strace $0x8FFFFFFF  }
0x98: {  	s19 =	sld [smem:$0x3FDB];
	_ =	sdelay $0x1  }
0x99: {  	s4 =	simm.s32 $_scs_section_size  }
0x9a: {  	s5 =	simm.s32 $_size__tile_overlayer_lowered;
	s6 =	simm.s32 $_tile_overlayer_lowered  }
0x9b: {  	s22 =	simm.s32 $0x1BFF;
	s21 =	sshll.u32 s6, $0x1;
	s3 =	sadd.s32 s4, s19  }
0x9c: {  	s7 =	simm.s32 $0x0;
	s20 =	sshll.u32 s5, $0x1;
	s5 =	sadd.s32 s21, s3  }
0x9d: {  	[timem:s7], [sflag:s22] =	dma.local [hbm:s5], s20  }
0x9e: {  	_ =	swait.ge [sflag:s22], s20  }
0x9f: {  	s4 =	ssub.s32 $0x0, s20;
	[sflag:s22] =	ssyncset.done $0x0  }
0xa0: {  	[sflag:s22] =	ssyncadd.s32 s4;
	_ =	sdelay $0x1  }
0xa1: {  	s23 =	simm.s32 $0x1B8B  }
0xa2: {  	_ =	swait.ge [sflag:s23], $0x1  }
0xa3: {  	[sflag:s23] =	ssyncset.done $0x0  }
0xa4: {  	s25 =	simm.s32 $0x1B8E;
	s24 =	sld [smem:$0x3FFE];
	[sflag:s23] =	ssyncadd.s32 $0xFFFFFFFF  }
0xa5: {  	s26 =	simm.s32 $execute0_lowered;
	[smem:$0x3FD2] =	sst s25  }
0xa6: {  	s5 =	sshll.u32 s26, $0x1;
	_ =	strace $0x80000046;
	[dreg:$0x1] =	wrdreg $0xFFFFFFFF  }
0xa7: {  	s28 =	simm.s32 $_size_execute0_lowered;
	s3 =	sadd.s32 s3, s5;
	[dreg:$0x0] =	wrdreg $0x0  }
0xa8: {  	s5 =	sshll.u32 s28, $0x1;
	[dreg:$0x2] =	wrdreg s3  }
0xa9: {  	[dreg:$0x3] =	wrdreg s5  }
0xaa: {  	[dreg:$0x4] =	wrdreg $0xC0  }
0xab: {  	_ =	task [dreg:s7], $0x5FFFF  }
0xac: {  	[dreg:$0x1] =	wrdreg $0xFFFFFFFF  }
0xad: {  	[dreg:$0x0] =	wrdreg $0x60  }
0xae: {  	[dreg:$0x2] =	wrdreg s24  }
0xaf: {  	[dreg:$0x3] =	wrdreg s2  }
0xb0: {  	[dreg:$0x4] =	wrdreg $0x9  }
0xb1: {  	_ =	task.clear_ibuf [dreg:s7], $0x5FFFF;
	_ =	strace $0x90000046  }
0xb2: {  	s29 =	simm.s32 $0x9;
	_ =	strace $0x80000048  }
0xb3: {  	_ =	swait.ge [sflag:s29], $0x1  }
0xb4: {  	[sflag:s29] =	ssyncadd.s32 $0xFFFFFFFF  }
0xb5: {  	_ =	strace $0x90000048  }
0xb6: {  	_ =	sfence  }
0xb7: {  	s30 =	sld [smem:$0x0];
	_ =	sdelay $0x2  }
0xb8: {  	s31 =	sshll.u32 s1, $0xD;
	s1 =	sshrl.u32 s1, $0x2  }
0xb9: {  	s3 =	sand.u32 $0x4000, s31;
	s1 =	sadd.s32 s1, s30  }
0xba: {  	s0 =	sor.u32 s3, s0;
	s1 =	sshll.u32 s1, $0x11  }
0xbb: {  	s0 =	sor.u32 s1, s0  }
0xbc: {  	s0 =	sadd.s32 $0x8F2B, s0  }
0xbd: {  	[sflag:s0] =	ssyncadd.remote.s32 $0x1  }
0xbe: {  	_ =	sfence.sel $0xFFFF  }
0xbf: {  	[dreg:$0x0] =	wrdreg $0xFFFFFFFF;
	(pc) =	sbr.abs _section_cstart, $3  }
0xc0: {  	[dreg:$0x1] =	wrdreg $0xFFFFFFFF  }
0xc1: {  	_ =	task.clear_ibuf [dreg:s7], $0x2FFFF;
	_ =	strace $0x9FFFFFFF  }
0xc2: {  	(tm) =	ssettm $0x7FFFFFFF  }
0xc3: {  	_ =	shalt  }
tec
execute0_lowered:
.L_overlay_start_1:
0x0: {  	(tag) =	ssettag $0x1  }
0x1: {  	s0 =	rddreg [dreg:$0x0]  }
0x2: {  	s1 =	rddreg [dreg:$0x1];
	s2 =	srdreg.scid;
	s3 =	simm.s32 $0x0  }
0x3: {  	s8 =	stileid.u32;
	s30 =	simm.s32 $0xC4;
	s31 =	simm.s32 $0x62  }
0x4: {  	s2 =	sand.u32 $0x1, s2;
	[smem:$0x7FF] =	sst s3;
	s5 =	sadd.s32 $0x1600, s0  }
0x5: {  	s21 =	sadd.s32 $0x1A00, s0;
	_ =	strace $0x80000047;
	[dreg:$0x6] =	wrdreg s5  }
0x6: {  	s26 =	sshll.u32 s8, $0x6;
	s4 =	sshll.u32 s2, $0x4;
	[dreg:$0x7] =	wrdreg s21  }
0x7: {  	s6 =	ssub.s32 $0x2, s2;
	s25 =	sshll.u32 s2, $0xA;
	[dreg:$0x3] =	wrdreg s30  }
0x8: {  	s2 =	sshll.u32 s2, $0x9;
	[dreg:$0x4] =	wrdreg s31;
	s4 =	sor.u32 s8, s4  }
0x9: {  	s7 =	sshrl.u32 s6, $0x1;
	s8 =	sshll.u32 s8, $0x5;
	s22 =	sshll.u32 s4, $0x2  }
0xa: {  	s4 =	sshll.u32 s4, $0xB;
	s23 =	ssub.s32 s6, s7;
	s2 =	sor.u32 s8, s2  }
0xb: {  	s5 =	sadd.s32 s22, s0;
	s0 =	sadd.s32 s4, s0;
	s4 =	smax.u32 s23, $0x1  }
0xc: {  	s12 =	simm.s32 $0x2;
	s29 =	sor.u32 $0x1, s2;
	[dreg:$0xb] =	wrdreg s4  }
0xd: {  	s14 =	simm.s32 $0x1;
	s24 =	sadd.s32 $0x11E00, s0;
	[dreg:$0x5] =	wrdreg s29  }
0xe: {  	s15 =	simm.s32 $0x3180;
	s5 =	sadd.s32 $0x1400, s5;
	[dreg:$0x8] =	wrdreg s24  }
0xf: {  	v0 =	vlaneseq.u32;
	s28 =	sor.u32 s26, s25;
	s0 =	sadd.s32 $0x1E00, s0;
	[dreg:$0x9] =	wrdreg s5  }
0x10: {  	v1 =	vimm.s32 $0x0;
	vm0 =	vmmov $0xffff;
	v3 =	vshrl.u32 v0, $0x3;
	s6 =	sadd.s32 $0x100, s1;
	[dreg:$0xa] =	wrdreg s0;
	s0 =	sor.u32 $0x1, s28  }
0x11: {  	v2 =	vand.u32 $0x7, v0;
	v4 =	vor.u32 $0x8, v0;
	v3 =	vmul.u32 $0x8, v3;
	s22 =	simm.s32 $0x6980;
	s24 =	simm.s32 $0x0;
	[dreg:$0xc] =	wrdreg s0  }
.LBB2_1:
0x12: {  	s0 =	rddreg [dreg:$0x6]  }
0x13: {  	[tilespmem:s3], [sflag:$0x2] =	stream.linear.gather [hbm4b:s0+s3], $0x1880, $0x38;
	[tilespmem:$0x7180] =	vst v63  }
0x14: {  	_ =	swait.ge [sflag:s12], $0x1880  }
0x15: {  	[sflag:s12] =	ssyncset.done $0x0  }
0x16: {  	s2 =	simm.s32 $0x1880;
	s31 =	rddreg [dreg:$0x7];
	[sflag:s12] =	ssyncadd.s32 $0xFFFFE780  }
0x17: {  	[tilespmem:s2], [sflag:$0x2] =	stream.linear.gather [hbm4b:s31+s3], $0x1880, $0x38;
	[tilespmem:$0x7180] =	vst v63  }
0x18: {  	_ =	swait.ge [sflag:s12], $0x1880  }
0x19: {  	[sflag:s12] =	ssyncset.done $0x0  }
0x1a: {  	[sflag:s12] =	ssyncadd.s32 $0xFFFFE780  }
0x1b: {  	[tilespmem:$0x3100] =	vst v1  }
0x1c: {  	s26 =	simm.s32 $0x0;
	s25 =	rddreg [dreg:$0xc];
	[tilespmem:$0x3110] =	vst v1  }
.LBB2_2:
0x1d: {  	v5 =	vld [tilespmem:$0xC40];
	_ =	sdelay $0x4  }
0x1e: {  	(v2sf) =	vpush v5, $0x0;
	_ =	sdelay $0xe  }
0x1f: {  	s0 =	spop (v2sf)  }
0x20: {  	s2 =	rddreg [dreg:$0x4];
	p0 =	sgt.s32 s0, s25  }
0x21: {  	s2 =	simm.s32 @!p0 $0x126  }
0x22: {  	s7 =	sshll.u32 s2, $0x4  }
0x23: {  	v5 =	vld [tilespmem:s7+$0x0];
	_ =	sdelay $0x4  }
0x24: {  	(v2sf) =	vpush v5, $0x0;
	_ =	sdelay $0xd  }
0x25: {  	s4 =	simm.s32 $0x0  }
0x26: {  	s0 =	rddreg [dreg:$0x3];
	s4 =	simm.s32 @!p0 $0xC4;
	s5 =	spop (v2sf)  }
0x27: {  	s0 =	simm.s32 @!p0 $0x188;
	p0 =	sgt.s32 s5, s25;
	s5 =	smov.u32 s2  }
0x28: {  	s5 =	smov.u32 @p0 s4;
	s0 =	smov.u32 @p0 s2  }
0x29: {  	s2 =	sadd.s32 s0, s5  }
0x2a: {  	s2 =	sshll.u32 s2, $0x3  }
0x2b: {  	v5 =	vld [tilespmem:s2+$0x0];
	_ =	sdelay $0x4  }
0x2c: {  	(v2sf) =	vpush v5, $0x0;
	_ =	sdelay $0xb  }
0x2d: {  	s8 =	sadd.s32 $0xFFFFFFFF, s0  }
0x2e: {  	s4 =	sxor.u32 s8, s5  }
0x2f: {  	s2 =	sor.u32 s8, s5;
	s4 =	sshrl.u32 s4, $0x1  }
0x30: {  	s2 =	ssub.s32 s2, s4;
	s9 =	spop (v2sf)  }
0x31: {  	s4 =	smov.u32 s2;
	p0 =	sgt.s32 s9, s25  }
0x32: {  	s4 =	smov.u32 @p0 s5;
	s0 =	smov.u32 @p0 s2  }
0x33: {  	s2 =	sxor.u32 s0, s4  }
0x34: {  	s5 =	sand.u32 s0, s4;
	s2 =	sshrl.u32 s2, $0x1  }
0x35: {  	s2 =	sadd.s32 s2, s5  }
0x36: {  	s5 =	sshll.u32 s2, $0x4  }
0x37: {  	v5 =	vld [tilespmem:s5+$0x0];
	_ =	sdelay $0x4  }
0x38: {  	(v2sf) =	vpush v5, $0x0;
	_ =	sdelay $0xe  }
0x39: {  	s10 =	spop (v2sf)  }
0x3a: {  	s5 =	smov.u32 s2;
	p0 =	sgt.s32 s10, s25  }
0x3b: {  	s5 =	smov.u32 @p0 s4;
	s0 =	smov.u32 @p0 s2  }
0x3c: {  	s2 =	sadd.s32 s0, s5  }
0x3d: {  	s2 =	sshll.u32 s2, $0x3  }
0x3e: {  	s2 =	sand.u32 $0x3FFFFFF0, s2  }
0x3f: {  	v5 =	vld [tilespmem:s2+$0x0];
	_ =	sdelay $0x4  }
0x40: {  	(v2sf) =	vpush v5, $0x0;
	_ =	sdelay $0xc  }
0x41: {  	s11 =	sxor.u32 s0, s5  }
0x42: {  	s4 =	sand.u32 s0, s5;
	s2 =	sshrl.u32 s11, $0x1  }
0x43: {  	s2 =	sadd.s32 s2, s4;
	s13 =	spop (v2sf)  }
0x44: {  	s4 =	smov.u32 s2;
	p0 =	sgt.s32 s13, s25  }
0x45: {  	s4 =	smov.u32 @p0 s5;
	s0 =	smov.u32 @p0 s2  }
0x46: {  	s2 =	sadd.s32 s0, s4  }
0x47: {  	s2 =	sshll.u32 s2, $0x3  }
0x48: {  	s2 =	sand.u32 $0x3FFFFFF0, s2  }
0x49: {  	v5 =	vld [tilespmem:s2+$0x0];
	_ =	sdelay $0x4  }
0x4a: {  	(v2sf) =	vpush v5, $0x0;
	_ =	sdelay $0xc  }
0x4b: {  	s16 =	sxor.u32 s0, s4  }
0x4c: {  	s5 =	sand.u32 s0, s4;
	s2 =	sshrl.u32 s16, $0x1  }
0x4d: {  	s2 =	sadd.s32 s2, s5;
	s17 =	spop (v2sf)  }
0x4e: {  	s5 =	smov.u32 s2;
	p0 =	sgt.s32 s17, s25  }
0x4f: {  	s5 =	smov.u32 @p0 s4;
	s0 =	smov.u32 @p0 s2  }
0x50: {  	s2 =	sadd.s32 s0, s5  }
0x51: {  	s18 =	sshll.u32 s2, $0x3  }
0x52: {  	s4 =	sand.u32 $0x3FFFFFF0, s18  }
0x53: {  	v5 =	vld [tilespmem:s4+$0x0];
	_ =	sdelay $0x4  }
0x54: {  	(v2sf) =	vpush v5, $0x0;
	_ =	sdelay $0xe  }
0x55: {  	s2 =	sshrl.u32 s2, $0x1;
	s19 =	spop (v2sf)  }
0x56: {  	s4 =	smov.u32 s2;
	p0 =	sgt.s32 s19, s25  }
0x57: {  	s4 =	smov.u32 @p0 s5;
	s0 =	smov.u32 @p0 s2  }
0x58: {  	s2 =	sadd.s32 s0, s4  }
0x59: {  	s20 =	sshll.u32 s2, $0x3  }
0x5a: {  	s5 =	sand.u32 $0x3FFFFFF0, s20  }
0x5b: {  	v5 =	vld [tilespmem:s5+$0x0];
	_ =	sdelay $0x4  }
0x5c: {  	(v2sf) =	vpush v5, $0x0;
	_ =	sdelay $0xe  }
0x5d: {  	s2 =	sshrl.u32 s2, $0x1;
	s21 =	spop (v2sf)  }
0x5e: {  	s5 =	smov.u32 s2;
	p0 =	sgt.s32 s21, s25  }
0x5f: {  	s5 =	smov.u32 @p0 s4;
	s0 =	smov.u32 @p0 s2  }
0x60: {  	s0 =	sadd.s32 s0, s5  }
0x61: {  	s23 =	sshll.u32 s0, $0x3  }
0x62: {  	s2 =	sand.u32 $0x3FFFFFF0, s23  }
0x63: {  	v5 =	vld [tilespmem:s2+$0x0];
	_ =	sdelay $0x4  }
0x64: {  	(v2sf) =	vpush v5, $0x0;
	_ =	sdelay $0xe  }
0x65: {  	s28 =	spop (v2sf)  }
0x66: {  	s0 =	sshrl.u32 s0, $0x1;
	p0 =	sgt.s32 s28, s25  }
0x67: {  	s0 =	smov.u32 @p0 s5  }
0x68: {  	s28 =	sshll.u32 s0, $0x4  }
0x69: {  	v5 =	vld [tilespmem:s28+$0x0];
	_ =	sdelay $0x4  }
0x6a: {  	(v2sf) =	vpush v5, $0x0  }
0x6b: {  	(v2sf) =	vpush v5, $0x1;
	_ =	sdelay $0x1  }
0x6c: {  	(v2sf) =	vpush v5, $0x2  }
0x6d: {  	(v2sf) =	vpush v5, $0x3  }
0x6e: {  	(v2sf) =	vpush v5, $0x4  }
0x6f: {  	(v2sf) =	vpush v5, $0x5  }
0x70: {  	(v2sf) =	vpush v5, $0x6;
	_ =	sdelay $0x1  }
0x71: {  	(v2sf) =	vpush v5, $0x7;
	_ =	sdelay $0x3  }
0x72: {  	(v2sf) =	vpush v5, $0x8;
	_ =	sdelay $0x1  }
0x73: {  	(v2sf) =	vpush v5, $0x9;
	s18 =	spop (v2sf)  }
0x74: {  	s29 =	simm.s32 $0x1;
	s8 =	simm.s32 $0x1;
	s11 =	spop (v2sf);
	(v2sf) =	vpush v5, $0xA  }
0x75: {  	s10 =	simm.s32 $0x1;
	s19 =	simm.s32 $0x1;
	s20 =	simm.s32 $0x1  }
0x76: {  	s21 =	simm.s32 $0x1;
	s4 =	simm.s32 $0x1;
	s17 =	spop (v2sf);
	(v2sf) =	vpush v5, $0xB  }
0x77: {  	s23 =	simm.s32 $0x1;
	s5 =	simm.s32 $0x1;
	s16 =	spop (v2sf)  }
0x78: {  	s0 =	simm.s32 $0x1;
	p0 =	sle.s32 s18, s25;
	s9 =	spop (v2sf);
	(v2sf) =	vpush v5, $0xC  }
0x79: {  	s0 =	simm.s32 @!p0 $0x0;
	p1 =	sgt.s32 s11, s25;
	s7 =	spop (v2sf);
	(v2sf) =	vpush v5, $0xD  }
0x7a: {  	p0 =	sle.s32 s17, s25;
	s23 =	simm.s32 @!p1 $0x0;
	s2 =	spop (v2sf);
	(v2sf) =	vpush v5, $0xE  }
0x7b: {  	s4 =	simm.s32 @!p0 $0x0;
	p0 =	sle.s32 s16, s25;
	s0 =	ssub.s32 s0, s23  }
0x7c: {  	s5 =	simm.s32 @!p0 $0x0;
	p0 =	sle.s32 s9, s25;
	s13 =	spop (v2sf);
	(v2sf) =	vpush v5, $0xF  }
0x7d: {  	s0 =	sadd.s32 s4, s0;
	s8 =	simm.s32 @!p0 $0x0;
	p0 =	sle.s32 s7, s25;
	v5 =	vld [tilespmem:s28+$0x1880]  }
0x7e: {  	s0 =	sadd.s32 s5, s0;
	s10 =	simm.s32 @!p0 $0x0;
	p0 =	sle.s32 s2, s25  }
0x7f: {  	s5 =	simm.s32 $0x1;
	s0 =	sadd.s32 s8, s0;
	s29 =	simm.s32 @!p0 $0x0  }
0x80: {  	p0 =	sle.s32 s13, s25;
	s30 =	spop (v2sf);
	s0 =	sadd.s32 s10, s0  }
0x81: {  	s10 =	simm.s32 $0x1;
	s19 =	simm.s32 @!p0 $0x0;
	p0 =	sle.s32 s30, s25  }
0x82: {  	s31 =	spop (v2sf);
	s29 =	sadd.s32 s29, s0;
	s20 =	simm.s32 @!p0 $0x0;
	(v2sf) =	vpush v5, $0x0  }
0x83: {  	p0 =	sle.s32 s31, s25;
	s8 =	sadd.s32 s19, s29;
	s23 =	spop (v2sf);
	(v2sf) =	vpush v5, $0x1  }
0x84: {  	s19 =	simm.s32 $0x1;
	s21 =	simm.s32 @!p0 $0x0;
	s20 =	sadd.s32 s20, s8  }
0x85: {  	s20 =	sadd.s32 s21, s20;
	p0 =	sle.s32 s23, s25;
	s4 =	spop (v2sf);
	(v2sf) =	vpush v5, $0x2  }
0x86: {  	s21 =	simm.s32 $0x1;
	s5 =	simm.s32 @!p0 $0x0;
	p0 =	sle.s32 s4, s25  }
0x87: {  	(v2sf) =	vpush v5, $0x3;
	s10 =	simm.s32 @!p0 $0x0;
	s0 =	spop (v2sf);
	s20 =	sadd.s32 s5, s20  }
0x88: {  	p0 =	sle.s32 s0, s25;
	s8 =	spop (v2sf);
	s10 =	sadd.s32 s10, s20  }
0x89: {  	(v2sf) =	vpush v5, $0x4;
	s19 =	simm.s32 @!p0 $0x0;
	p0 =	sle.s32 s8, s25;
	s5 =	spop (v2sf)  }
0x8a: {  	s20 =	simm.s32 $0x1;
	(v2sf) =	vpush v5, $0x5;
	s21 =	simm.s32 @!p0 $0x0;
	p0 =	sle.s32 s5, s25  }
0x8b: {  	s19 =	sadd.s32 s19, s10;
	s10 =	spop (v2sf);
	s20 =	simm.s32 @!p0 $0x0  }
0x8c: {  	(v2sf) =	vpush v5, $0x6;
	p0 =	sle.s32 s10, s25;
	s19 =	sadd.s32 s21, s19;
	s21 =	simm.s32 $0x1  }
0x8d: {  	s19 =	sadd.s32 s20, s19;
	s21 =	simm.s32 @!p0 $0x0  }
0x8e: {  	(v2sf) =	vpush v5, $0x7;
	s29 =	sadd.s32 s21, s19  }
0x8f: {  	p0 =	seq.s32 s29, $0x0;
	p1 =	seq.s32 s29, $0x1  }
0x90: {  	s18 =	simm.s32 @!p0 $0x0;
	s11 =	simm.s32 @!p1 $0x0  }
0x91: {  	s19 =	spop (v2sf);
	(v2sf) =	vpush v5, $0x8;
	s11 =	sadd.s32 s11, s18  }
0x92: {  	s19 =	simm.s32 @!p0 $0x0;
	p0 =	seq.s32 s29, $0x2;
	s18 =	spop (v2sf)  }
0x93: {  	s17 =	simm.s32 @!p0 $0x0;
	(v2sf) =	vpush v5, $0x9;
	s18 =	simm.s32 @!p1 $0x0  }
0x94: {  	s11 =	sadd.s32 s17, s11;
	s18 =	sadd.s32 s18, s19;
	s19 =	spop (v2sf)  }
0x95: {  	p1 =	seq.s32 s29, $0xD;
	s19 =	simm.s32 @!p0 $0x0;
	p0 =	seq.s32 s29, $0x3  }
0x96: {  	(v2sf) =	vpush v5, $0xA;
	s21 =	sadd.s32 s19, s18;
	s16 =	simm.s32 @!p0 $0x0;
	s18 =	spop (v2sf)  }
0x97: {  	(v2sf) =	vpush v5, $0xB;
	s11 =	sadd.s32 s16, s11;
	s18 =	simm.s32 @!p0 $0x0;
	p0 =	seq.s32 s29, $0x4  }
0x98: {  	s17 =	spop (v2sf);
	(v2sf) =	vpush v5, $0xC;
	s18 =	sadd.s32 s18, s21;
	s9 =	simm.s32 @!p0 $0x0  }
0x99: {  	s17 =	simm.s32 @!p0 $0x0;
	p0 =	seq.s32 s29, $0x5;
	s16 =	spop (v2sf)  }
0x9a: {  	(v2sf) =	vpush v5, $0xD;
	s9 =	sadd.s32 s9, s11;
	s19 =	sadd.s32 s17, s18;
	s7 =	simm.s32 @!p0 $0x0  }
0x9b: {  	(v2sf) =	vpush v5, $0xE;
	s16 =	simm.s32 @!p0 $0x0;
	p0 =	seq.s32 s29, $0x6;
	s11 =	spop (v2sf)  }
0x9c: {  	s7 =	sadd.s32 s7, s9;
	s20 =	sadd.s32 s16, s19;
	s2 =	simm.s32 @!p0 $0x0  }
0x9d: {  	s11 =	simm.s32 @!p0 $0x0;
	p0 =	seq.s32 s29, $0x7;
	s9 =	spop (v2sf)  }
0x9e: {  	s2 =	sadd.s32 s2, s7;
	s21 =	sadd.s32 s11, s20;
	s13 =	simm.s32 @!p0 $0x0  }
0x9f: {  	(v2sf) =	vpush v5, $0xF;
	s9 =	simm.s32 @!p0 $0x0;
	p0 =	seq.s32 s29, $0x8;
	s2 =	sadd.s32 s13, s2  }
0xa0: {  	s7 =	sadd.s32 s9, s21;
	s30 =	simm.s32 @!p0 $0x0;
	s9 =	spop (v2sf)  }
0xa1: {  	s8 =	simm.s32 @!p1 $0x0;
	s2 =	sadd.s32 s30, s2;
	s9 =	simm.s32 @!p0 $0x0  }
0xa2: {  	p0 =	seq.s32 s29, $0x9;
	s7 =	sadd.s32 s9, s7;
	s9 =	spop (v2sf)  }
0xa3: {  	s31 =	simm.s32 @!p0 $0x0;
	s9 =	simm.s32 @!p0 $0x0;
	p0 =	seq.s32 s29, $0xA  }
0xa4: {  	s30 =	rddreg [dreg:$0x5];
	s2 =	sadd.s32 s31, s2;
	s23 =	simm.s32 @!p0 $0x0  }
0xa5: {  	s7 =	sadd.s32 s9, s7;
	s9 =	spop (v2sf);
	s2 =	sadd.s32 s23, s2  }
0xa6: {  	s9 =	simm.s32 @!p0 $0x0;
	p0 =	seq.s32 s29, $0xB;
	s11 =	spop (v2sf)  }
0xa7: {  	s7 =	sadd.s32 s9, s7;
	s4 =	simm.s32 @!p0 $0x0;
	s9 =	spop (v2sf)  }
0xa8: {  	s2 =	sadd.s32 s4, s2;
	s11 =	simm.s32 @!p0 $0x0;
	p0 =	seq.s32 s29, $0xC  }
0xa9: {  	s4 =	spop (v2sf);
	s7 =	sadd.s32 s11, s7;
	s0 =	simm.s32 @!p0 $0x0  }
0xaa: {  	s9 =	simm.s32 @!p0 $0x0;
	p0 =	seq.s32 s29, $0xE;
	s11 =	spop (v2sf)  }
0xab: {  	s0 =	sadd.s32 s0, s2;
	s23 =	sadd.s32 s9, s7;
	s4 =	simm.s32 @!p1 $0x0  }
0xac: {  	s5 =	simm.s32 @!p0 $0x0;
	p1 =	seq.s32 s29, $0xF;
	s0 =	sadd.s32 s8, s0  }
0xad: {  	s2 =	sadd.s32 s4, s23;
	s11 =	simm.s32 @!p0 $0x0;
	s10 =	simm.s32 @!p1 $0x0  }
0xae: {  	s4 =	spop (v2sf);
	s0 =	sadd.s32 s5, s0;
	s2 =	sadd.s32 s11, s2  }
0xaf: {  	s4 =	simm.s32 @!p1 $0x0;
	s5 =	sadd.s32 s26, s30;
	s0 =	sadd.s32 s10, s0  }
0xb0: {  	s31 =	sadd.s32 s4, s2;
	s4 =	simm.s32 $0x0;
	s0 =	sshra.s32 s0, $0x1  }
0xb1: {  	s2 =	sand.u32 $0x1, s31;
	s7 =	sshrl.u32 s31, $0x1;
	s10 =	sshrl.u32 s31, $0x2  }
0xb2: {  	s13 =	sshrl.u32 s31, $0x3;
	s16 =	sshrl.u32 s31, $0x4;
	s18 =	sshrl.u32 s31, $0x5  }
0xb3: {  	s19 =	sshrl.u32 s31, $0x6;
	s21 =	sshrl.u32 s31, $0x7;
	s23 =	sshrl.u32 s31, $0x8  }
0xb4: {  	s8 =	ssub.s32 $0x0, s2;
	s30 =	ssub.s32 s5, s0;
	s9 =	sand.u32 $0x1, s7  }
0xb5: {  	s5 =	simm.s32 $0x0;
	s11 =	sand.u32 $0x1, s10;
	s7 =	simm.s32 $0x0  }
0xb6: {  	s17 =	sand.u32 $0x1, s16;
	s20 =	sand.u32 $0x1, s19;
	s10 =	sshrl.u32 s31, $0xA  }
0xb7: {  	s16 =	sshrl.u32 s31, $0xC;
	s19 =	sshrl.u32 s31, $0xE;
	p0 =	sne.s32 s30, s2  }
0xb8: {  	s2 =	sadd.s32 s2, s9;
	s0 =	ssub.s32 $0x0, s9;
	s9 =	sshrl.u32 s31, $0x9  }
0xb9: {  	s4 =	simm.s32 @!p0 $0x10;
	p0 =	sne.s32 s30, s2;
	s2 =	sadd.s32 s11, s2  }
0xba: {  	s5 =	simm.s32 @!p0 $0x11;
	s4 =	sand.u32 s4, s8;
	p0 =	sne.s32 s30, s2  }
0xbb: {  	s8 =	sand.u32 $0x1, s23;
	s0 =	sand.u32 s5, s0;
	s5 =	ssub.s32 $0x0, s11  }
0xbc: {  	s7 =	simm.s32 @!p0 $0x12;
	s11 =	sand.u32 $0x1, s10;
	s0 =	sadd.s32 s0, s4  }
0xbd: {  	s4 =	sand.u32 $0x1, s13;
	s5 =	sand.u32 s7, s5;
	s7 =	simm.s32 $0x0  }
0xbe: {  	s13 =	sshrl.u32 s31, $0xB;
	s2 =	sadd.s32 s4, s2;
	s4 =	ssub.s32 $0x0, s4  }
0xbf: {  	s0 =	sadd.s32 s5, s0;
	s5 =	ssub.s32 $0x0, s17;
	p0 =	sne.s32 s30, s2  }
0xc0: {  	s2 =	sadd.s32 s17, s2;
	s17 =	sand.u32 $0x1, s16;
	s7 =	simm.s32 @!p0 $0x13  }
0xc1: {  	p0 =	sne.s32 s30, s2;
	s4 =	sand.u32 s7, s4;
	s7 =	simm.s32 $0x0  }
0xc2: {  	s0 =	sadd.s32 s4, s0;
	s4 =	sand.u32 $0x1, s18;
	s7 =	simm.s32 @!p0 $0x14  }
0xc3: {  	s18 =	sshrl.u32 s31, $0xD;
	s2 =	sadd.s32 s4, s2;
	s5 =	sand.u32 s7, s5  }
0xc4: {  	s7 =	simm.s32 $0x0;
	s4 =	ssub.s32 $0x0, s4;
	p0 =	sne.s32 s30, s2  }
0xc5: {  	s0 =	sadd.s32 s5, s0;
	s2 =	sadd.s32 s20, s2;
	s7 =	simm.s32 @!p0 $0x15  }
0xc6: {  	s5 =	ssub.s32 $0x0, s20;
	p0 =	sne.s32 s30, s2;
	s4 =	sand.u32 s7, s4  }
0xc7: {  	s7 =	simm.s32 $0x0;
	s0 =	sadd.s32 s4, s0;
	s4 =	sand.u32 $0x1, s21  }
0xc8: {  	s20 =	sand.u32 $0x1, s19;
	s7 =	simm.s32 @!p0 $0x16;
	s2 =	sadd.s32 s4, s2  }
0xc9: {  	s5 =	sand.u32 s7, s5;
	s7 =	simm.s32 $0x0;
	p0 =	sne.s32 s30, s2  }
0xca: {  	s4 =	ssub.s32 $0x0, s4;
	s2 =	sadd.s32 s8, s2;
	s7 =	simm.s32 @!p0 $0x17  }
0xcb: {  	s0 =	sadd.s32 s5, s0;
	p0 =	sne.s32 s30, s2;
	s4 =	sand.u32 s7, s4  }
0xcc: {  	s7 =	simm.s32 $0x0;
	s0 =	sadd.s32 s4, s0;
	s4 =	sand.u32 $0x1, s9  }
0xcd: {  	s5 =	ssub.s32 $0x0, s8;
	s7 =	simm.s32 @!p0 $0x18;
	s2 =	sadd.s32 s4, s2  }
0xce: {  	s5 =	sand.u32 s7, s5;
	s7 =	simm.s32 $0x0;
	p0 =	sne.s32 s30, s2  }
0xcf: {  	s4 =	ssub.s32 $0x0, s4;
	s2 =	sadd.s32 s11, s2;
	s7 =	simm.s32 @!p0 $0x19  }
0xd0: {  	s0 =	sadd.s32 s5, s0;
	p0 =	sne.s32 s30, s2;
	s4 =	sand.u32 s7, s4  }
0xd1: {  	s7 =	simm.s32 $0x0;
	s0 =	sadd.s32 s4, s0;
	s4 =	sand.u32 $0x1, s13  }
0xd2: {  	s5 =	ssub.s32 $0x0, s11;
	s7 =	simm.s32 @!p0 $0x1A;
	s2 =	sadd.s32 s4, s2  }
0xd3: {  	s5 =	sand.u32 s7, s5;
	s7 =	simm.s32 $0x0;
	p0 =	sne.s32 s30, s2  }
0xd4: {  	s4 =	ssub.s32 $0x0, s4;
	s2 =	sadd.s32 s17, s2;
	s7 =	simm.s32 @!p0 $0x1B  }
0xd5: {  	s0 =	sadd.s32 s5, s0;
	p0 =	sne.s32 s30, s2;
	s4 =	sand.u32 s7, s4  }
0xd6: {  	s7 =	simm.s32 $0x0;
	s0 =	sadd.s32 s4, s0;
	s4 =	sand.u32 $0x1, s18  }
0xd7: {  	s5 =	ssub.s32 $0x0, s17;
	s7 =	simm.s32 @!p0 $0x1C;
	s2 =	sadd.s32 s4, s2  }
0xd8: {  	s5 =	sand.u32 s7, s5;
	s7 =	simm.s32 $0x0;
	p0 =	sne.s32 s30, s2  }
0xd9: {  	s21 =	sshrl.u32 s31, $0xF;
	s4 =	ssub.s32 $0x0, s4;
	s7 =	simm.s32 @!p0 $0x1D  }
0xda: {  	s0 =	sadd.s32 s5, s0;
	s2 =	sadd.s32 s20, s2;
	s4 =	sand.u32 s7, s4  }
0xdb: {  	s5 =	ssub.s32 $0x0, s20;
	s0 =	sadd.s32 s4, s0;
	s4 =	sand.u32 $0x1, s21  }
0xdc: {  	p0 =	sne.s32 s30, s2;
	s7 =	simm.s32 $0x0;
	s2 =	sadd.s32 s4, s2  }
0xdd: {  	s7 =	simm.s32 @!p0 $0x1E;
	p0 =	sne.s32 s30, s2;
	s2 =	simm.s32 $0x0  }
0xde: {  	s5 =	sand.u32 s7, s5;
	s4 =	ssub.s32 $0x0, s4;
	s2 =	simm.s32 @!p0 $0x1F  }
0xdf: {  	s29 =	sadd.s32 s28, s29;
	s0 =	sadd.s32 s5, s0;
	s2 =	sand.u32 s2, s4  }
0xe0: {  	s30 =	sshll.u32 s29, $0x4;
	s0 =	sadd.s32 s2, s0  }
0xe1: {  	s23 =	sand.u32 $0x10, s26;
	s2 =	sadd.s32 s0, s30  }
0xe2: {  	v5 =	vld [tilespmem:s23+$0x3100];
	p0 =	seq.s32 s0, $0x0;
	s0 =	sadd.s32 $0xFFFFFFF0, s2  }
0xe3: {  	s0 =	simm.s32 @p0 $0x0;
	p0 =	sne.s32 s26, $0x1F  }
.Ltmp0:
0xe4: {  	s31 =	sand.u32 $0xF, s26;
	(pc) =	sbr.rel @p0 .LBB2_2-.Ltmp0, $4  }
0xe5: {  	v6 =	vmov s31  }
0xe6: {  	vm1 =	veq.s32 v6, v0  }
0xe7: {  	v5 =	vsel vm1, s0, v5  }
0xe8: {  	s25 =	sadd.s32 $0x2, s25;
	s26 =	sadd.s32 $0x1, s26;
	[tilespmem:s23+$0x3100] =	vst v5  }
0xe9: {  	v5 =	vld [tilespmem:$0x3100];
	_ =	sdelay $0x4  }
0xea: {  	v6 =	vshll.u32 v5, $0x2  }
0xeb: {  	v5 =	vand.u32 $0x7, v5;
	v6 =	vand.u32 $0xFFFFFFE0, v6  }
0xec: {  	v5 =	vor.u32 v5, v6  }
0xed: {  	v6 =	vperm.xlane v5, v2;
	_ =	sdelay $0x1  }
0xee: {  	v6 =	vadd.s32 v3, v6;
	_ =	sdelay $0x1  }
0xef: {  	v5 =	vperm.xlane v5, v4;
	_ =	sdelay $0x1  }
0xf0: {  	v5 =	vadd.s32 v3, v5  }
0xf1: {  	[tilespmem:s15], [sflag:$0x1] =	stream.indirect_vreg.gather [hbm4b:s1+s3], $0x80, v6, vm0, $0xb8;
	[tilespmem:$0x7180] =	vst v63  }
0xf2: {  	s2 =	simm.s32 $0x3980  }
0xf3: {  	[tilespmem:s2], [sflag:$0x1] =	stream.indirect_vreg.gather [hbm4b:s6+s3], $0x80, v6, vm0, $0xb8;
	[tilespmem:$0x7180] =	vst v63  }
0xf4: {  	s4 =	simm.s32 $0x4180  }
0xf5: {  	[tilespmem:s4], [sflag:$0x1] =	stream.indirect_vreg.gather [hbm4b:s1+s3], $0x80, v5, vm0, $0xb8;
	[tilespmem:$0x7180] =	vst v63  }
0xf6: {  	s5 =	simm.s32 $0x4980  }
0xf7: {  	[tilespmem:s5], [sflag:$0x1] =	stream.indirect_vreg.gather [hbm4b:s6+s3], $0x80, v5, vm0, $0xb8;
	[tilespmem:$0x7180] =	vst v63  }
0xf8: {  	v5 =	vld [tilespmem:$0x3110];
	_ =	sdelay $0x4  }
0xf9: {  	v6 =	vshll.u32 v5, $0x2  }
0xfa: {  	v5 =	vand.u32 $0x7, v5;
	v6 =	vand.u32 $0xFFFFFFE0, v6  }
0xfb: {  	v5 =	vor.u32 v5, v6  }
0xfc: {  	v6 =	vperm.xlane v5, v2;
	_ =	sdelay $0x1  }
0xfd: {  	v6 =	vadd.s32 v3, v6;
	_ =	sdelay $0x1  }
0xfe: {  	v5 =	vperm.xlane v5, v4;
	_ =	sdelay $0x1  }
0xff: {  	s7 =	simm.s32 $0x5180;
	v5 =	vadd.s32 v3, v5  }
0x100: {  	[tilespmem:s7], [sflag:$0x1] =	stream.indirect_vreg.gather [hbm4b:s1+s3], $0x80, v6, vm0, $0xb8;
	[tilespmem:$0x7180] =	vst v63  }
0x101: {  	s8 =	simm.s32 $0x5980  }
0x102: {  	[tilespmem:s8], [sflag:$0x1] =	stream.indirect_vreg.gather [hbm4b:s6+s3], $0x80, v6, vm0, $0xb8;
	[tilespmem:$0x7180] =	vst v63  }
0x103: {  	s9 =	simm.s32 $0x6180  }
0x104: {  	[tilespmem:s9], [sflag:$0x1] =	stream.indirect_vreg.gather [hbm4b:s1+s3], $0x80, v5, vm0, $0xb8;
	[tilespmem:$0x7180] =	vst v63  }
0x105: {  	_ = 	snop  }
0x106: {  	[tilespmem:s22], [sflag:$0x1] =	stream.indirect_vreg.gather [hbm4b:s6+s3], $0x80, v5, vm0, $0xb8;
	[tilespmem:$0x7180] =	vst v63  }
0x107: {  	_ =	swait.ge [sflag:s14], $0x4000  }
0x108: {  	[sflag:s14] =	ssyncset.done $0x0  }
0x109: {  	s0 =	rddreg [dreg:$0x8];
	[sflag:s14] =	ssyncadd.s32 $0xFFFFC000  }
0x10a: {  	[hbm4b:s0+s3] =	stream.linear.scatter [tilespmem:s15], [sflag:$0x2], $0x4000, $0x38;
	[tilespmem:$0x7180] =	vst v63  }
0x10b: {  	_ =	swait.ge [sflag:s12], $0x4000  }
0x10c: {  	[sflag:s12] =	ssyncset.done $0x0  }
0x10d: {  	s10 =	simm.s32 $0x3100;
	s29 =	rddreg [dreg:$0x9];
	[sflag:s12] =	ssyncadd.s32 $0xFFFFC000  }
0x10e: {  	[tilespmem:s10], [sflag:$0x2] =	stream.linear.gather [hbm4b:s29+s3], $0x20, $0x38;
	[tilespmem:$0x7180] =	vst v63  }
0x10f: {  	_ =	swait.ge [sflag:s12], $0x20  }
0x110: {  	[sflag:s12] =	ssyncset.done $0x0  }
0x111: {  	[sflag:s12] =	ssyncadd.s32 $0xFFFFFFE0  }
0x112: {  	v5 =	vld [tilespmem:$0x3100];
	_ =	sdelay $0x4  }
0x113: {  	v6 =	vshll.u32 v5, $0x2  }
0x114: {  	v5 =	vand.u32 $0x7, v5;
	v6 =	vand.u32 $0xFFFFFFE0, v6  }
0x115: {  	v5 =	vor.u32 v5, v6  }
0x116: {  	v6 =	vperm.xlane v5, v2;
	_ =	sdelay $0x1  }
0x117: {  	v6 =	vadd.s32 v3, v6;
	_ =	sdelay $0x1  }
0x118: {  	v5 =	vperm.xlane v5, v4;
	_ =	sdelay $0x1  }
0x119: {  	v5 =	vadd.s32 v3, v5  }
0x11a: {  	[tilespmem:s15], [sflag:$0x1] =	stream.indirect_vreg.gather [hbm4b:s1+s3], $0x80, v6, vm0, $0xb8;
	[tilespmem:$0x7180] =	vst v63  }
0x11b: {  	_ = 	snop  }
0x11c: {  	[tilespmem:s2], [sflag:$0x1] =	stream.indirect_vreg.gather [hbm4b:s6+s3], $0x80, v6, vm0, $0xb8;
	[tilespmem:$0x7180] =	vst v63  }
0x11d: {  	_ = 	snop  }
0x11e: {  	[tilespmem:s4], [sflag:$0x1] =	stream.indirect_vreg.gather [hbm4b:s1+s3], $0x80, v5, vm0, $0xb8;
	[tilespmem:$0x7180] =	vst v63  }
0x11f: {  	_ = 	snop  }
0x120: {  	[tilespmem:s5], [sflag:$0x1] =	stream.indirect_vreg.gather [hbm4b:s6+s3], $0x80, v5, vm0, $0xb8;
	[tilespmem:$0x7180] =	vst v63  }
0x121: {  	v5 =	vld [tilespmem:$0x3110];
	_ =	sdelay $0x4  }
0x122: {  	v6 =	vshll.u32 v5, $0x2  }
0x123: {  	v5 =	vand.u32 $0x7, v5;
	v6 =	vand.u32 $0xFFFFFFE0, v6  }
0x124: {  	v5 =	vor.u32 v5, v6  }
0x125: {  	v6 =	vperm.xlane v5, v2;
	_ =	sdelay $0x1  }
0x126: {  	v6 =	vadd.s32 v3, v6;
	_ =	sdelay $0x1  }
0x127: {  	v5 =	vperm.xlane v5, v4;
	_ =	sdelay $0x1  }
0x128: {  	v5 =	vadd.s32 v3, v5  }
0x129: {  	[tilespmem:s7], [sflag:$0x1] =	stream.indirect_vreg.gather [hbm4b:s1+s3], $0x80, v6, vm0, $0xb8;
	[tilespmem:$0x7180] =	vst v63  }
0x12a: {  	_ = 	snop  }
0x12b: {  	[tilespmem:s8], [sflag:$0x1] =	stream.indirect_vreg.gather [hbm4b:s6+s3], $0x80, v6, vm0, $0xb8;
	[tilespmem:$0x7180] =	vst v63  }
0x12c: {  	_ = 	snop  }
0x12d: {  	[tilespmem:s9], [sflag:$0x1] =	stream.indirect_vreg.gather [hbm4b:s1+s3], $0x80, v5, vm0, $0xb8;
	[tilespmem:$0x7180] =	vst v63  }
0x12e: {  	_ = 	snop  }
0x12f: {  	[tilespmem:s22], [sflag:$0x1] =	stream.indirect_vreg.gather [hbm4b:s6+s3], $0x80, v5, vm0, $0xb8;
	[tilespmem:$0x7180] =	vst v63  }
0x130: {  	_ =	swait.ge [sflag:s14], $0x4000  }
0x131: {  	[sflag:s14] =	ssyncset.done $0x0  }
0x132: {  	s30 =	rddreg [dreg:$0xa];
	[sflag:s14] =	ssyncadd.s32 $0xFFFFC000  }
0x133: {  	[hbm4b:s30+s3] =	stream.linear.scatter [tilespmem:s15], [sflag:$0x2], $0x4000, $0x38;
	[tilespmem:$0x7180] =	vst v63  }
0x134: {  	_ =	swait.ge [sflag:s12], $0x4000  }
0x135: {  	s24 =	sadd.s32 $0x1, s24;
	s31 =	rddreg [dreg:$0xb]  }
0x136: {  	p0 =	sne.s32 s24, s31  }
.Ltmp1:
0x137: {  	_ = 	snop;
	(pc) =	sbr.rel @p0 .LBB2_1-.Ltmp1, $3  }
0x138: {  	_ =	sdelay $0x1  }
0x139: {  	[sflag:s12] =	ssyncset.done $0x0  }
0x13a: {  	[sflag:s12] =	ssyncadd.s32 $0xFFFFC000  }
0x13b: {  	_ =	sfence.sel $0x180000  }
0x13c: {  	[bflag:$0x0] =	sbarrier.arrive $0xFFFF  }
0x13d: {  	_ =	strace $0x90000047  }
0x13e: {  	s0 =	stileid.u32;
	[bflag:$0x2] =	sbarrier.arrive $0xFFFF  }
0x13f: {  	p0 =	sne.s32 s0, $0x0;
	s0 =	rddreg [dreg:$0x2]  }
0x140: {  	s0 =	sadd.s32 @!p0 $0x100000, s0  }
0x141: {  	[sflag:s0] =	ssyncadd.tile.s32 @!p0 $0x1;
	_ =	shalt  }
.Lfunc_end2:
_tile_overlayer_lowered:
.L_overlay_start_2:
0x142: {  	(tag) =	ssettag $0x2  }
0x143: {  	s0 =	rddreg [dreg:$0x0];
	s2 =	stileid.u32  }
0x144: {  	s1 =	rddreg [dreg:$0x1];
	p0 =	sne.s32 s2, $0x0  }
0x145: {  	s3 =	rddreg [dreg:$0x2];
	[bflag:$0x3] =	sbarrier.arrive $0xFFFF;
	s2 =	simm.s32 @!p0 $0x1C02  }
0x146: {  	[timem:s3], [sflag:s2] =	dma.local @!p0 [hbm:s0], s1  }
0x147: {  	s0 =	simm.s32 @!p0 $0x2  }
0x148: {  	_ =	swait.ge @!p0 [sflag:s0], s1  }
0x149: {  	s1 =	ssub.s32 @!p0 $0x0, s1;
	[sflag:s0] =	ssyncset.done @!p0 $0x0  }
0x14a: {  	[sflag:s0] =	ssyncadd.s32 @!p0 s1  }
0x14b: {  	[bflag:$0x3] =	sbarrier.arrive $0xFFFF  }
0x14c: {  	_ =	shalt  }

</sc_bundles>
